<compile_context>
chip_gen: v7x
topology: tpu7x:2x2x1
jax: 0.10.2.dev20260603
libtpu: 0.0.44.dev20260713+nightly
codegen_flags: <defaults>
</compile_context>

<pallas_src>
import functools

import jax
import jax.numpy as jnp
from jax import lax
from jax.experimental import pallas as pl
from jax.experimental.pallas import tpu as pltpu
from jax.experimental.pallas import tpu_sc as plsc


def _gather_call(seq, bt, d, nw, nc, idx4, wtp):
    g = bt // nw
    nbuf = 4
    half = 2
    mesh = plsc.VectorSubcoreMesh(core_axis_name="c", subcore_axis_name="s")
    scratch = [
        pltpu.VMEM((seq, g), jnp.int32),
        pltpu.VMEM((nbuf, g, 2 * d), jnp.float32),
        pltpu.VMEM((half, g, d), jnp.float32),
    ] + [pltpu.SemaphoreType.DMA] * (nbuf + half)

    @functools.partial(
        pl.kernel,
        mesh=mesh,
        out_type=jax.ShapeDtypeStruct((bt, seq, d), jnp.float32),
        compiler_params=pltpu.CompilerParams(use_tc_tiling_on_sc=True),
        scratch_types=scratch,
    )
    def k(idx_hbm, tab_hbm, out_hbm, idx_v, g_v, o_v, *sems):
        gsem = sems[:nbuf]
        osem = sems[nbuf:]
        wid = lax.axis_index("s") * nc + lax.axis_index("c")
        pltpu.sync_copy(idx_hbm.at[wid], idx_v)
        row0 = wid * g

        def gather_desc(si, slot):
            return pltpu.make_async_copy(
                tab_hbm.at[idx_v.at[si]], g_v.at[slot], gsem[slot]
            )

        def out_desc(si, oslot):
            return pltpu.make_async_copy(
                o_v.at[oslot],
                out_hbm.at[pl.ds(row0, g), si, :],
                osem[oslot],
            )

        def compact(slot, oslot):
            gref = g_v.at[slot]
            oref = o_v.at[oslot]

            def body(i, carry):
                for u in range(d // 16):
                    oref[i, pl.ds(16 * u, 16)] = gref[i, pl.ds(16 * u, 16)]
                return carry

            lax.fori_loop(0, g, body, 0)

        for si in range(nbuf):
            gather_desc(si, si).start()

        def blk(bi, carry):
            for bsl in range(nbuf):
                si = bi * nbuf + bsl
                prev = (bsl - 1) % half
                gather_desc(si, bsl).wait()

                @pl.when(si >= 1)
                def _():
                    out_desc(lax.max(si - 1, 0), prev).start()

                @pl.when(si >= half)
                def _():
                    out_desc(lax.max(si - half, 0), bsl % half).wait()

                compact(bsl, bsl % half)

                @pl.when(si + nbuf < seq)
                def _():
                    gather_desc(lax.min(si + nbuf, seq - 1), bsl).start()

            return carry

        lax.fori_loop(0, seq // nbuf, blk, 0)
        out_desc(seq - 1, (seq - 1) % half).start()
        for i in range(half):
            si = seq - half + i
            out_desc(si, si % half).wait()

    return k(idx4, wtp)


def kernel(token_ids, weight):
    bt, seq = token_ids.shape
    v, d = weight.shape
    info = plsc.get_sparse_core_info()
    nc, ns = info.num_cores, info.num_subcores
    nw = nc * ns
    g = bt // nw
    wtp = jnp.pad(weight, ((0, 0), (0, d)))
    idx4 = token_ids.reshape(nw, g, seq).transpose(0, 2, 1)
    return _gather_call(seq, bt, d, nw, nc, idx4, wtp)

# --- scband reference (transcript-rebuilt; emitter-appended) ---
"""Pipeline reference for scband-embedding-4475355922521 (READ-ONLY COPY).

The authoritative reference and input builder live on the scoring server;
editing this copy changes nothing except your own understanding.
"""

import jax, jax.numpy as jnp
import numpy as np
import math

VOCAB_SIZE = 1000000
EMBED_DIM = 64
BATCH = 4096
SEQ = 200

def setup_inputs(seed: int = 0) -> dict:
    key = jax.random.key(seed)
    k_idx, k_w = jax.random.split(key)
    token_ids = jax.random.randint(k_idx, (BATCH, SEQ), 0, VOCAB_SIZE, dtype=jnp.int64 if jax.config.jax_enable_x64 else jnp.int32)
    scale = 1.0 / math.sqrt(EMBED_DIM)
    weight = jax.random.normal(k_w, (VOCAB_SIZE, EMBED_DIM), dtype=jnp.float32) * scale
    return {"token_ids": token_ids, "weight": weight}

def reference(token_ids, weight):
    # Faithful translation of Embedding.__call__: weight[token_ids]
    return jnp.take(weight, token_ids, axis=0)

if __name__ == "__main__":
    import jax
    _d = setup_inputs()
    print(jax.jit(kernel)(*tuple(_d.values())))

</pallas_src>

<mosaic_0001>
#map = affine_map<(d0, d1) -> (0, 0, 0)>
#map1 = affine_map<(d0, d1) -> (0, 0)>
module attributes {stable_mosaic.version = 14 : i64} {
  func.func @k(%arg0: i32, %arg1: i32, %arg2: memref<32x200x128xi32, #tpu.memory_space<hbm>>, %arg3: memref<1000000x128xf32, #tpu.memory_space<hbm>>, %arg4: memref<4096x200x64xf32, #tpu.memory_space<hbm>>, %arg5: memref<200x128xi32, #tpu.memory_space<vmem>>, %arg6: memref<4x128x128xf32, #tpu.memory_space<vmem>>, %arg7: memref<2x128x64xf32, #tpu.memory_space<vmem>>, %arg8: memref<!tpu.dma_semaphore, #tpu.memory_space<semaphore_mem>>, %arg9: memref<!tpu.dma_semaphore, #tpu.memory_space<semaphore_mem>>, %arg10: memref<!tpu.dma_semaphore, #tpu.memory_space<semaphore_mem>>, %arg11: memref<!tpu.dma_semaphore, #tpu.memory_space<semaphore_mem>>, %arg12: memref<!tpu.dma_semaphore, #tpu.memory_space<semaphore_mem>>, %arg13: memref<!tpu.dma_semaphore, #tpu.memory_space<semaphore_mem>>) attributes {dimension_semantics = [#tpu.dimension_semantics<core_parallel>, #tpu.dimension_semantics<subcore_parallel>], iteration_bounds = array<i64: 2, 16>, scalar_prefetch = 0 : i64, scratch_operands = 9 : i64, tpu.core_type = #tpu.core_type<sc_vector_subcore>, window_params = [{transform_indices = #map}, {transform_indices = #map1}, {transform_indices = #map}]} {
    %mul3A = arith.constant 2 : i32
    %mul3A_0 = arith.muli %arg1, %mul3A : i32
    %add3A = arith.addi %mul3A_0, %arg0 : i32
    "tpu.region"() ({
      %run_scoped3A = tpu.sem_alloc : memref<!tpu.dma_semaphore, #tpu.memory_space<semaphore_mem>>
      %dma_start3A_102 = arith.constant 0 : i32
      %dma_start3A_103 = arith.constant 0 : i32
      %dma_start3A_104 = tpu.memref_slice %arg2[%add3A, %dma_start3A_102, %dma_start3A_103] : memref<32x200x128xi32, #tpu.memory_space<hbm>> -> memref<1x200x128xi32, #tpu.memory_space<hbm>>
      %dma_start3A_105 = tpu.memref_squeeze %dma_start3A_104 : memref<1x200x128xi32, #tpu.memory_space<hbm>> -> memref<200x128xi32, #tpu.memory_space<hbm>>
      %dma_start3A_106 = arith.constant 0 : i32
      %dma_start3A_107 = arith.constant 0 : i32
      %dma_start3A_108 = tpu.memref_slice %arg2[%add3A, %dma_start3A_106, %dma_start3A_107] : memref<32x200x128xi32, #tpu.memory_space<hbm>> -> memref<1x200x128xi32, #tpu.memory_space<hbm>>
      %dma_start3A_109 = tpu.memref_squeeze %dma_start3A_108 : memref<1x200x128xi32, #tpu.memory_space<hbm>> -> memref<200x128xi32, #tpu.memory_space<hbm>>
      tpu.enqueue_dma source(%dma_start3A_109 : memref<200x128xi32, #tpu.memory_space<hbm>>) target(%arg5 : memref<200x128xi32, #tpu.memory_space<vmem>>) target_semaphore(%run_scoped3A : memref<!tpu.dma_semaphore, #tpu.memory_space<semaphore_mem>>)
      %dma_wait3A_110 = arith.constant 0 : i32
      %dma_wait3A_111 = arith.constant 0 : i32
      %dma_wait3A_112 = tpu.memref_slice %arg2[%add3A, %dma_wait3A_110, %dma_wait3A_111] : memref<32x200x128xi32, #tpu.memory_space<hbm>> -> memref<1x200x128xi32, #tpu.memory_space<hbm>>
      %dma_wait3A_113 = tpu.memref_squeeze %dma_wait3A_112 : memref<1x200x128xi32, #tpu.memory_space<hbm>> -> memref<200x128xi32, #tpu.memory_space<hbm>>
      %dma_wait3A_114 = arith.constant 0 : i32
      %dma_wait3A_115 = arith.constant 0 : i32
      %dma_wait3A_116 = tpu.memref_slice %arg2[%add3A, %dma_wait3A_114, %dma_wait3A_115] : memref<32x200x128xi32, #tpu.memory_space<hbm>> -> memref<1x200x128xi32, #tpu.memory_space<hbm>>
      %dma_wait3A_117 = tpu.memref_squeeze %dma_wait3A_116 : memref<1x200x128xi32, #tpu.memory_space<hbm>> -> memref<200x128xi32, #tpu.memory_space<hbm>>
      tpu.wait_dma2 semaphore(%run_scoped3A : memref<!tpu.dma_semaphore, #tpu.memory_space<semaphore_mem>>) src(%dma_wait3A_117 : memref<200x128xi32, #tpu.memory_space<hbm>>) dst(%arg5 : memref<200x128xi32, #tpu.memory_space<vmem>>)
      tpu.yield
    }) : () -> ()
    %mul3A_1 = arith.constant 128 : i32
    %mul3A_2 = arith.muli %add3A, %mul3A_1 : i32
    %dma_start3A = arith.constant 0 : i32
    %dma_start3A_3 = arith.constant 0 : i32
    %dma_start3A_4 = arith.constant 0 : i32
    %dma_start3A_5 = arith.constant 0 : i32
    %dma_start3A_6 = tpu.memref_slice %arg6[%dma_start3A_3, %dma_start3A_4, %dma_start3A_5] : memref<4x128x128xf32, #tpu.memory_space<vmem>> -> memref<1x128x128xf32, #tpu.memory_space<vmem>>
    %dma_start3A_7 = tpu.memref_squeeze %dma_start3A_6 : memref<1x128x128xf32, #tpu.memory_space<vmem>> -> memref<128x128xf32, #tpu.memory_space<vmem>>
    %dma_start3A_8 = arith.constant 0 : i32
    %dma_start3A_9 = tpu.memref_slice %arg5[%dma_start3A, %dma_start3A_8] : memref<200x128xi32, #tpu.memory_space<vmem>> -> memref<1x128xi32, #tpu.memory_space<vmem>>
    %dma_start3A_10 = tpu.memref_squeeze %dma_start3A_9 : memref<1x128xi32, #tpu.memory_space<vmem>> -> memref<128xi32, #tpu.memory_space<vmem>>
    %dma_start3A_11 = arith.constant 0 : i32
    %dma_start3A_12 = arith.constant 0 : i32
    %dma_start3A_13 = tpu.memref_slice %arg3[%dma_start3A_11, %dma_start3A_12] : memref<1000000x128xf32, #tpu.memory_space<hbm>> -> memref<1000000x128xf32, #tpu.memory_space<hbm>>
    tpu.enqueue_indirect_dma source(%dma_start3A_13 : memref<1000000x128xf32, #tpu.memory_space<hbm>>) target(%dma_start3A_7 : memref<128x128xf32, #tpu.memory_space<vmem>>) offsets(%dma_start3A_10 : memref<128xi32, #tpu.memory_space<vmem>>) semaphore(%arg8 : memref<!tpu.dma_semaphore, #tpu.memory_space<semaphore_mem>>)
    %dma_start3A_14 = arith.constant 1 : i32
    %dma_start3A_15 = arith.constant 1 : i32
    %dma_start3A_16 = arith.constant 0 : i32
    %dma_start3A_17 = arith.constant 0 : i32
    %dma_start3A_18 = tpu.memref_slice %arg6[%dma_start3A_15, %dma_start3A_16, %dma_start3A_17] : memref<4x128x128xf32, #tpu.memory_space<vmem>> -> memref<1x128x128xf32, #tpu.memory_space<vmem>>
    %dma_start3A_19 = tpu.memref_squeeze %dma_start3A_18 : memref<1x128x128xf32, #tpu.memory_space<vmem>> -> memref<128x128xf32, #tpu.memory_space<vmem>>
    %dma_start3A_20 = arith.constant 0 : i32
    %dma_start3A_21 = tpu.memref_slice %arg5[%dma_start3A_14, %dma_start3A_20] : memref<200x128xi32, #tpu.memory_space<vmem>> -> memref<1x128xi32, #tpu.memory_space<vmem>>
    %dma_start3A_22 = tpu.memref_squeeze %dma_start3A_21 : memref<1x128xi32, #tpu.memory_space<vmem>> -> memref<128xi32, #tpu.memory_space<vmem>>
    %dma_start3A_23 = arith.constant 0 : i32
    %dma_start3A_24 = arith.constant 0 : i32
    %dma_start3A_25 = tpu.memref_slice %arg3[%dma_start3A_23, %dma_start3A_24] : memref<1000000x128xf32, #tpu.memory_space<hbm>> -> memref<1000000x128xf32, #tpu.memory_space<hbm>>
    tpu.enqueue_indirect_dma source(%dma_start3A_25 : memref<1000000x128xf32, #tpu.memory_space<hbm>>) target(%dma_start3A_19 : memref<128x128xf32, #tpu.memory_space<vmem>>) offsets(%dma_start3A_22 : memref<128xi32, #tpu.memory_space<vmem>>) semaphore(%arg9 : memref<!tpu.dma_semaphore, #tpu.memory_space<semaphore_mem>>)
    %dma_start3A_26 = arith.constant 2 : i32
    %dma_start3A_27 = arith.constant 2 : i32
    %dma_start3A_28 = arith.constant 0 : i32
    %dma_start3A_29 = arith.constant 0 : i32
    %dma_start3A_30 = tpu.memref_slice %arg6[%dma_start3A_27, %dma_start3A_28, %dma_start3A_29] : memref<4x128x128xf32, #tpu.memory_space<vmem>> -> memref<1x128x128xf32, #tpu.memory_space<vmem>>
    %dma_start3A_31 = tpu.memref_squeeze %dma_start3A_30 : memref<1x128x128xf32, #tpu.memory_space<vmem>> -> memref<128x128xf32, #tpu.memory_space<vmem>>
    %dma_start3A_32 = arith.constant 0 : i32
    %dma_start3A_33 = tpu.memref_slice %arg5[%dma_start3A_26, %dma_start3A_32] : memref<200x128xi32, #tpu.memory_space<vmem>> -> memref<1x128xi32, #tpu.memory_space<vmem>>
    %dma_start3A_34 = tpu.memref_squeeze %dma_start3A_33 : memref<1x128xi32, #tpu.memory_space<vmem>> -> memref<128xi32, #tpu.memory_space<vmem>>
    %dma_start3A_35 = arith.constant 0 : i32
    %dma_start3A_36 = arith.constant 0 : i32
    %dma_start3A_37 = tpu.memref_slice %arg3[%dma_start3A_35, %dma_start3A_36] : memref<1000000x128xf32, #tpu.memory_space<hbm>> -> memref<1000000x128xf32, #tpu.memory_space<hbm>>
    tpu.enqueue_indirect_dma source(%dma_start3A_37 : memref<1000000x128xf32, #tpu.memory_space<hbm>>) target(%dma_start3A_31 : memref<128x128xf32, #tpu.memory_space<vmem>>) offsets(%dma_start3A_34 : memref<128xi32, #tpu.memory_space<vmem>>) semaphore(%arg10 : memref<!tpu.dma_semaphore, #tpu.memory_space<semaphore_mem>>)
    %dma_start3A_38 = arith.constant 3 : i32
    %dma_start3A_39 = arith.constant 3 : i32
    %dma_start3A_40 = arith.constant 0 : i32
    %dma_start3A_41 = arith.constant 0 : i32
    %dma_start3A_42 = tpu.memref_slice %arg6[%dma_start3A_39, %dma_start3A_40, %dma_start3A_41] : memref<4x128x128xf32, #tpu.memory_space<vmem>> -> memref<1x128x128xf32, #tpu.memory_space<vmem>>
    %dma_start3A_43 = tpu.memref_squeeze %dma_start3A_42 : memref<1x128x128xf32, #tpu.memory_space<vmem>> -> memref<128x128xf32, #tpu.memory_space<vmem>>
    %dma_start3A_44 = arith.constant 0 : i32
    %dma_start3A_45 = tpu.memref_slice %arg5[%dma_start3A_38, %dma_start3A_44] : memref<200x128xi32, #tpu.memory_space<vmem>> -> memref<1x128xi32, #tpu.memory_space<vmem>>
    %dma_start3A_46 = tpu.memref_squeeze %dma_start3A_45 : memref<1x128xi32, #tpu.memory_space<vmem>> -> memref<128xi32, #tpu.memory_space<vmem>>
    %dma_start3A_47 = arith.constant 0 : i32
    %dma_start3A_48 = arith.constant 0 : i32
    %dma_start3A_49 = tpu.memref_slice %arg3[%dma_start3A_47, %dma_start3A_48] : memref<1000000x128xf32, #tpu.memory_space<hbm>> -> memref<1000000x128xf32, #tpu.memory_space<hbm>>
    tpu.enqueue_indirect_dma source(%dma_start3A_49 : memref<1000000x128xf32, #tpu.memory_space<hbm>>) target(%dma_start3A_43 : memref<128x128xf32, #tpu.memory_space<vmem>>) offsets(%dma_start3A_46 : memref<128xi32, #tpu.memory_space<vmem>>) semaphore(%arg11 : memref<!tpu.dma_semaphore, #tpu.memory_space<semaphore_mem>>)
    %scan3A = arith.constant 0 : i32
    %scan3A_50 = arith.constant 0 : i32
    %scan3A_51 = arith.constant 50 : i32
    %scan3A_52 = arith.addi %scan3A_50, %scan3A_51 : i32
    %scan3A_53 = arith.constant 1 : i32
    scf.for %scan3A_102 = %scan3A_50 to %scan3A_52 step %scan3A_53  : i32 {
      %mul3A_103 = arith.constant 4 : i32
      %mul3A_104 = arith.muli %scan3A_102, %mul3A_103 : i32
      %add3A_105 = arith.constant 0 : i32
      %add3A_106 = arith.addi %mul3A_104, %add3A_105 : i32
      %dma_wait3A_107 = arith.constant 0 : i32
      %dma_wait3A_108 = arith.constant 0 : i32
      %dma_wait3A_109 = arith.constant 0 : i32
      %dma_wait3A_110 = tpu.memref_slice %arg6[%dma_wait3A_107, %dma_wait3A_108, %dma_wait3A_109] : memref<4x128x128xf32, #tpu.memory_space<vmem>> -> memref<1x128x128xf32, #tpu.memory_space<vmem>>
      %dma_wait3A_111 = tpu.memref_squeeze %dma_wait3A_110 : memref<1x128x128xf32, #tpu.memory_space<vmem>> -> memref<128x128xf32, #tpu.memory_space<vmem>>
      %dma_wait3A_112 = arith.constant 0 : i32
      %dma_wait3A_113 = tpu.memref_slice %arg5[%add3A_106, %dma_wait3A_112] : memref<200x128xi32, #tpu.memory_space<vmem>> -> memref<1x128xi32, #tpu.memory_space<vmem>>
      %dma_wait3A_114 = tpu.memref_squeeze %dma_wait3A_113 : memref<1x128xi32, #tpu.memory_space<vmem>> -> memref<128xi32, #tpu.memory_space<vmem>>
      %dma_wait3A_115 = arith.constant 0 : i32
      %dma_wait3A_116 = arith.constant 0 : i32
      %dma_wait3A_117 = tpu.memref_slice %arg3[%dma_wait3A_115, %dma_wait3A_116] : memref<1000000x128xf32, #tpu.memory_space<hbm>> -> memref<1000000x128xf32, #tpu.memory_space<hbm>>
      tpu.wait_indirect_dma semaphore(%arg8 : memref<!tpu.dma_semaphore, #tpu.memory_space<semaphore_mem>>) src(%dma_wait3A_117 : memref<1000000x128xf32, #tpu.memory_space<hbm>>) dst(%dma_wait3A_111 : memref<128x128xf32, #tpu.memory_space<vmem>>)
      %ge3A = arith.constant 1 : i32
      %ge3A_118 = arith.cmpi sge, %add3A_106, %ge3A : i32
      %convert_element_type3A = arith.extui %ge3A_118 : i1 to i32
      %cond3A = arith.constant 0 : i32
      %cond3A_119 = arith.cmpi ne, %convert_element_type3A, %cond3A : i32
      scf.if %cond3A_119 {
        %sub3A = arith.constant 1 : i32
        %sub3A_259 = arith.subi %add3A_106, %sub3A : i32
        %max3A = arith.constant 0 : i32
        %max3A_260 = arith.maxsi %sub3A_259, %max3A : i32
        %dma_start3A_261 = arith.constant 1 : i32
        %dma_start3A_262 = arith.constant 0 : i32
        %dma_start3A_263 = arith.constant 0 : i32
        %dma_start3A_264 = tpu.memref_slice %arg7[%dma_start3A_261, %dma_start3A_262, %dma_start3A_263] : memref<2x128x64xf32, #tpu.memory_space<vmem>> -> memref<1x128x64xf32, #tpu.memory_space<vmem>>
        %dma_start3A_265 = tpu.memref_squeeze %dma_start3A_264 : memref<1x128x64xf32, #tpu.memory_space<vmem>> -> memref<128x64xf32, #tpu.memory_space<vmem>>
        %dma_start3A_266 = arith.constant 0 : i32
        %dma_start3A_267 = tpu.memref_slice %arg4[%mul3A_2, %max3A_260, %dma_start3A_266] : memref<4096x200x64xf32, #tpu.memory_space<hbm>> -> memref<128x1x64xf32, #tpu.memory_space<hbm>>
        %dma_start3A_268 = tpu.memref_squeeze %dma_start3A_267 : memref<128x1x64xf32, #tpu.memory_space<hbm>> -> memref<128x64xf32, #tpu.memory_space<hbm>>
        %dma_start3A_269 = arith.constant 0 : i32
        %dma_start3A_270 = tpu.memref_slice %arg4[%mul3A_2, %max3A_260, %dma_start3A_269] : memref<4096x200x64xf32, #tpu.memory_space<hbm>> -> memref<128x1x64xf32, #tpu.memory_space<hbm>>
        %dma_start3A_271 = tpu.memref_squeeze %dma_start3A_270 : memref<128x1x64xf32, #tpu.memory_space<hbm>> -> memref<128x64xf32, #tpu.memory_space<hbm>>
        %dma_start3A_272 = arith.constant 0 : i32
        %dma_start3A_273 = arith.constant 0 : i32
        %dma_start3A_274 = tpu.memref_slice %arg7[%dma_start3A_261, %dma_start3A_272, %dma_start3A_273] : memref<2x128x64xf32, #tpu.memory_space<vmem>> -> memref<1x128x64xf32, #tpu.memory_space<vmem>>
        %dma_start3A_275 = tpu.memref_squeeze %dma_start3A_274 : memref<1x128x64xf32, #tpu.memory_space<vmem>> -> memref<128x64xf32, #tpu.memory_space<vmem>>
        tpu.enqueue_dma source(%dma_start3A_275 : memref<128x64xf32, #tpu.memory_space<vmem>>) target(%dma_start3A_271 : memref<128x64xf32, #tpu.memory_space<hbm>>) target_semaphore(%arg13 : memref<!tpu.dma_semaphore, #tpu.memory_space<semaphore_mem>>)
      } else {
      }
      %ge3A_120 = arith.constant 2 : i32
      %ge3A_121 = arith.cmpi sge, %add3A_106, %ge3A_120 : i32
      %convert_element_type3A_122 = arith.extui %ge3A_121 : i1 to i32
      %cond3A_123 = arith.constant 0 : i32
      %cond3A_124 = arith.cmpi ne, %convert_element_type3A_122, %cond3A_123 : i32
      scf.if %cond3A_124 {
        %sub3A = arith.constant 2 : i32
        %sub3A_259 = arith.subi %add3A_106, %sub3A : i32
        %max3A = arith.constant 0 : i32
        %max3A_260 = arith.maxsi %sub3A_259, %max3A : i32
        %dma_wait3A_261 = arith.constant 0 : i32
        %dma_wait3A_262 = arith.constant 0 : i32
        %dma_wait3A_263 = arith.constant 0 : i32
        %dma_wait3A_264 = tpu.memref_slice %arg7[%dma_wait3A_261, %dma_wait3A_262, %dma_wait3A_263] : memref<2x128x64xf32, #tpu.memory_space<vmem>> -> memref<1x128x64xf32, #tpu.memory_space<vmem>>
        %dma_wait3A_265 = tpu.memref_squeeze %dma_wait3A_264 : memref<1x128x64xf32, #tpu.memory_space<vmem>> -> memref<128x64xf32, #tpu.memory_space<vmem>>
        %dma_wait3A_266 = arith.constant 0 : i32
        %dma_wait3A_267 = tpu.memref_slice %arg4[%mul3A_2, %max3A_260, %dma_wait3A_266] : memref<4096x200x64xf32, #tpu.memory_space<hbm>> -> memref<128x1x64xf32, #tpu.memory_space<hbm>>
        %dma_wait3A_268 = tpu.memref_squeeze %dma_wait3A_267 : memref<128x1x64xf32, #tpu.memory_space<hbm>> -> memref<128x64xf32, #tpu.memory_space<hbm>>
        %dma_wait3A_269 = arith.constant 0 : i32
        %dma_wait3A_270 = tpu.memref_slice %arg4[%mul3A_2, %max3A_260, %dma_wait3A_269] : memref<4096x200x64xf32, #tpu.memory_space<hbm>> -> memref<128x1x64xf32, #tpu.memory_space<hbm>>
        %dma_wait3A_271 = tpu.memref_squeeze %dma_wait3A_270 : memref<128x1x64xf32, #tpu.memory_space<hbm>> -> memref<128x64xf32, #tpu.memory_space<hbm>>
        %dma_wait3A_272 = arith.constant 0 : i32
        %dma_wait3A_273 = arith.constant 0 : i32
        %dma_wait3A_274 = tpu.memref_slice %arg7[%dma_wait3A_261, %dma_wait3A_272, %dma_wait3A_273] : memref<2x128x64xf32, #tpu.memory_space<vmem>> -> memref<1x128x64xf32, #tpu.memory_space<vmem>>
        %dma_wait3A_275 = tpu.memref_squeeze %dma_wait3A_274 : memref<1x128x64xf32, #tpu.memory_space<vmem>> -> memref<128x64xf32, #tpu.memory_space<vmem>>
        tpu.wait_dma2 semaphore(%arg12 : memref<!tpu.dma_semaphore, #tpu.memory_space<semaphore_mem>>) src(%dma_wait3A_275 : memref<128x64xf32, #tpu.memory_space<vmem>>) dst(%dma_wait3A_271 : memref<128x64xf32, #tpu.memory_space<hbm>>)
      } else {
      }
      %scan3A_125 = arith.constant 0 : i32
      %scan3A_126 = arith.constant 0 : i32
      %scan3A_127 = arith.constant 0 : i32
      %scan3A_128 = arith.constant 0 : i32
      %scan3A_129 = arith.constant 128 : i32
      %scan3A_130 = arith.addi %scan3A_128, %scan3A_129 : i32
      %scan3A_131 = arith.constant 1 : i32
      scf.for %scan3A_259 = %scan3A_128 to %scan3A_130 step %scan3A_131  : i32 {
        %get3A = arith.constant 0 : i32
        %get3A_260 = arith.constant 0 : i32
        %get3A_261 = tpu.memref_slice %arg6[%scan3A_126, %get3A, %get3A_260] : memref<4x128x128xf32, #tpu.memory_space<vmem>> -> memref<1x128x128xf32, #tpu.memory_space<vmem>>
        %get3A_262 = tpu.memref_squeeze %get3A_261 : memref<1x128x128xf32, #tpu.memory_space<vmem>> -> memref<128x128xf32, #tpu.memory_space<vmem>>
        %get3A_263 = arith.index_cast %scan3A_259 : i32 to index
        %get3A_264 = arith.constant 0 : index
        %get3A_265 = tpu.vector_load %get3A_262[%get3A_263, %get3A_264] {strides = array<i32>} : memref<128x128xf32, #tpu.memory_space<vmem>>, vector<1x16xf32>,
        %get3A_266 = vector.shape_cast %get3A_265 : vector<1x16xf32> to vector<16xf32>
        %swap3A = arith.constant 0 : i32
        %swap3A_267 = arith.constant 0 : i32
        %swap3A_268 = tpu.memref_slice %arg7[%scan3A_127, %swap3A, %swap3A_267] : memref<2x128x64xf32, #tpu.memory_space<vmem>> -> memref<1x128x64xf32, #tpu.memory_space<vmem>>
        %swap3A_269 = tpu.memref_squeeze %swap3A_268 : memref<1x128x64xf32, #tpu.memory_space<vmem>> -> memref<128x64xf32, #tpu.memory_space<vmem>>
        %swap3A_270 = arith.index_cast %scan3A_259 : i32 to index
        %swap3A_271 = arith.constant 0 : index
        %swap3A_272 = tpu.vector_load %swap3A_269[%swap3A_270, %swap3A_271] {strides = array<i32>} : memref<128x64xf32, #tpu.memory_space<vmem>>, vector<1x16xf32>,
        %swap3A_273 = vector.shape_cast %swap3A_272 : vector<1x16xf32> to vector<16xf32>
        %swap3A_274 = vector.shape_cast %get3A_266 : vector<16xf32> to vector<1x16xf32>
        tpu.vector_store %swap3A_269[%swap3A_270, %swap3A_271], %swap3A_274 {strides = array<i32>} : memref<128x64xf32, #tpu.memory_space<vmem>>, vector<1x16xf32>,
        %get3A_275 = arith.constant 0 : i32
        %get3A_276 = arith.constant 0 : i32
        %get3A_277 = tpu.memref_slice %arg6[%scan3A_126, %get3A_275, %get3A_276] : memref<4x128x128xf32, #tpu.memory_space<vmem>> -> memref<1x128x128xf32, #tpu.memory_space<vmem>>
        %get3A_278 = tpu.memref_squeeze %get3A_277 : memref<1x128x128xf32, #tpu.memory_space<vmem>> -> memref<128x128xf32, #tpu.memory_space<vmem>>
        %get3A_279 = arith.index_cast %scan3A_259 : i32 to index
        %get3A_280 = arith.constant 16 : index
        %get3A_281 = tpu.vector_load %get3A_278[%get3A_279, %get3A_280] {strides = array<i32>} : memref<128x128xf32, #tpu.memory_space<vmem>>, vector<1x16xf32>,
        %get3A_282 = vector.shape_cast %get3A_281 : vector<1x16xf32> to vector<16xf32>
        %swap3A_283 = arith.constant 0 : i32
        %swap3A_284 = arith.constant 0 : i32
        %swap3A_285 = tpu.memref_slice %arg7[%scan3A_127, %swap3A_283, %swap3A_284] : memref<2x128x64xf32, #tpu.memory_space<vmem>> -> memref<1x128x64xf32, #tpu.memory_space<vmem>>
        %swap3A_286 = tpu.memref_squeeze %swap3A_285 : memref<1x128x64xf32, #tpu.memory_space<vmem>> -> memref<128x64xf32, #tpu.memory_space<vmem>>
        %swap3A_287 = arith.index_cast %scan3A_259 : i32 to index
        %swap3A_288 = arith.constant 16 : index
        %swap3A_289 = tpu.vector_load %swap3A_286[%swap3A_287, %swap3A_288] {strides = array<i32>} : memref<128x64xf32, #tpu.memory_space<vmem>>, vector<1x16xf32>,
        %swap3A_290 = vector.shape_cast %swap3A_289 : vector<1x16xf32> to vector<16xf32>
        %swap3A_291 = vector.shape_cast %get3A_282 : vector<16xf32> to vector<1x16xf32>
        tpu.vector_store %swap3A_286[%swap3A_287, %swap3A_288], %swap3A_291 {strides = array<i32>} : memref<128x64xf32, #tpu.memory_space<vmem>>, vector<1x16xf32>,
        %get3A_292 = arith.constant 0 : i32
        %get3A_293 = arith.constant 0 : i32
        %get3A_294 = tpu.memref_slice %arg6[%scan3A_126, %get3A_292, %get3A_293] : memref<4x128x128xf32, #tpu.memory_space<vmem>> -> memref<1x128x128xf32, #tpu.memory_space<vmem>>
        %get3A_295 = tpu.memref_squeeze %get3A_294 : memref<1x128x128xf32, #tpu.memory_space<vmem>> -> memref<128x128xf32, #tpu.memory_space<vmem>>
        %get3A_296 = arith.index_cast %scan3A_259 : i32 to index
        %get3A_297 = arith.constant 32 : index
        %get3A_298 = tpu.vector_load %get3A_295[%get3A_296, %get3A_297] {strides = array<i32>} : memref<128x128xf32, #tpu.memory_space<vmem>>, vector<1x16xf32>,
        %get3A_299 = vector.shape_cast %get3A_298 : vector<1x16xf32> to vector<16xf32>
        %swap3A_300 = arith.constant 0 : i32
        %swap3A_301 = arith.constant 0 : i32
        %swap3A_302 = tpu.memref_slice %arg7[%scan3A_127, %swap3A_300, %swap3A_301] : memref<2x128x64xf32, #tpu.memory_space<vmem>> -> memref<1x128x64xf32, #tpu.memory_space<vmem>>
        %swap3A_303 = tpu.memref_squeeze %swap3A_302 : memref<1x128x64xf32, #tpu.memory_space<vmem>> -> memref<128x64xf32, #tpu.memory_space<vmem>>
        %swap3A_304 = arith.index_cast %scan3A_259 : i32 to index
        %swap3A_305 = arith.constant 32 : index
        %swap3A_306 = tpu.vector_load %swap3A_303[%swap3A_304, %swap3A_305] {strides = array<i32>} : memref<128x64xf32, #tpu.memory_space<vmem>>, vector<1x16xf32>,
        %swap3A_307 = vector.shape_cast %swap3A_306 : vector<1x16xf32> to vector<16xf32>
        %swap3A_308 = vector.shape_cast %get3A_299 : vector<16xf32> to vector<1x16xf32>
        tpu.vector_store %swap3A_303[%swap3A_304, %swap3A_305], %swap3A_308 {strides = array<i32>} : memref<128x64xf32, #tpu.memory_space<vmem>>, vector<1x16xf32>,
        %get3A_309 = arith.constant 0 : i32
        %get3A_310 = arith.constant 0 : i32
        %get3A_311 = tpu.memref_slice %arg6[%scan3A_126, %get3A_309, %get3A_310] : memref<4x128x128xf32, #tpu.memory_space<vmem>> -> memref<1x128x128xf32, #tpu.memory_space<vmem>>
        %get3A_312 = tpu.memref_squeeze %get3A_311 : memref<1x128x128xf32, #tpu.memory_space<vmem>> -> memref<128x128xf32, #tpu.memory_space<vmem>>
        %get3A_313 = arith.index_cast %scan3A_259 : i32 to index
        %get3A_314 = arith.constant 48 : index
        %get3A_315 = tpu.vector_load %get3A_312[%get3A_313, %get3A_314] {strides = array<i32>} : memref<128x128xf32, #tpu.memory_space<vmem>>, vector<1x16xf32>,
        %get3A_316 = vector.shape_cast %get3A_315 : vector<1x16xf32> to vector<16xf32>
        %swap3A_317 = arith.constant 0 : i32
        %swap3A_318 = arith.constant 0 : i32
        %swap3A_319 = tpu.memref_slice %arg7[%scan3A_127, %swap3A_317, %swap3A_318] : memref<2x128x64xf32, #tpu.memory_space<vmem>> -> memref<1x128x64xf32, #tpu.memory_space<vmem>>
        %swap3A_320 = tpu.memref_squeeze %swap3A_319 : memref<1x128x64xf32, #tpu.memory_space<vmem>> -> memref<128x64xf32, #tpu.memory_space<vmem>>
        %swap3A_321 = arith.index_cast %scan3A_259 : i32 to index
        %swap3A_322 = arith.constant 48 : index
        %swap3A_323 = tpu.vector_load %swap3A_320[%swap3A_321, %swap3A_322] {strides = array<i32>} : memref<128x64xf32, #tpu.memory_space<vmem>>, vector<1x16xf32>,
        %swap3A_324 = vector.shape_cast %swap3A_323 : vector<1x16xf32> to vector<16xf32>
        %swap3A_325 = vector.shape_cast %get3A_316 : vector<16xf32> to vector<1x16xf32>
        tpu.vector_store %swap3A_320[%swap3A_321, %swap3A_322], %swap3A_325 {strides = array<i32>} : memref<128x64xf32, #tpu.memory_space<vmem>>, vector<1x16xf32>,
      }
      %scan3A_132 = arith.constant 128 : i32
      %add3A_133 = arith.constant 4 : i32
      %add3A_134 = arith.addi %add3A_106, %add3A_133 : i32
      %lt3A = arith.constant 200 : i32
      %lt3A_135 = arith.cmpi slt, %add3A_134, %lt3A : i32
      %convert_element_type3A_136 = arith.extui %lt3A_135 : i1 to i32
      %cond3A_137 = arith.constant 0 : i32
      %cond3A_138 = arith.cmpi ne, %convert_element_type3A_136, %cond3A_137 : i32
      scf.if %cond3A_138 {
        %add3A_259 = arith.constant 4 : i32
        %add3A_260 = arith.addi %add3A_106, %add3A_259 : i32
        %min3A = arith.constant 199 : i32
        %min3A_261 = arith.minsi %add3A_260, %min3A : i32
        %dma_start3A_262 = arith.constant 0 : i32
        %dma_start3A_263 = arith.constant 0 : i32
        %dma_start3A_264 = arith.constant 0 : i32
        %dma_start3A_265 = tpu.memref_slice %arg6[%dma_start3A_262, %dma_start3A_263, %dma_start3A_264] : memref<4x128x128xf32, #tpu.memory_space<vmem>> -> memref<1x128x128xf32, #tpu.memory_space<vmem>>
        %dma_start3A_266 = tpu.memref_squeeze %dma_start3A_265 : memref<1x128x128xf32, #tpu.memory_space<vmem>> -> memref<128x128xf32, #tpu.memory_space<vmem>>
        %dma_start3A_267 = arith.constant 0 : i32
        %dma_start3A_268 = tpu.memref_slice %arg5[%min3A_261, %dma_start3A_267] : memref<200x128xi32, #tpu.memory_space<vmem>> -> memref<1x128xi32, #tpu.memory_space<vmem>>
        %dma_start3A_269 = tpu.memref_squeeze %dma_start3A_268 : memref<1x128xi32, #tpu.memory_space<vmem>> -> memref<128xi32, #tpu.memory_space<vmem>>
        %dma_start3A_270 = arith.constant 0 : i32
        %dma_start3A_271 = arith.constant 0 : i32
        %dma_start3A_272 = tpu.memref_slice %arg3[%dma_start3A_270, %dma_start3A_271] : memref<1000000x128xf32, #tpu.memory_space<hbm>> -> memref<1000000x128xf32, #tpu.memory_space<hbm>>
        tpu.enqueue_indirect_dma source(%dma_start3A_272 : memref<1000000x128xf32, #tpu.memory_space<hbm>>) target(%dma_start3A_266 : memref<128x128xf32, #tpu.memory_space<vmem>>) offsets(%dma_start3A_269 : memref<128xi32, #tpu.memory_space<vmem>>) semaphore(%arg8 : memref<!tpu.dma_semaphore, #tpu.memory_space<semaphore_mem>>)
      } else {
      }
      %mul3A_139 = arith.constant 4 : i32
      %mul3A_140 = arith.muli %scan3A_102, %mul3A_139 : i32
      %add3A_141 = arith.constant 1 : i32
      %add3A_142 = arith.addi %mul3A_140, %add3A_141 : i32
      %dma_wait3A_143 = arith.constant 1 : i32
      %dma_wait3A_144 = arith.constant 0 : i32
      %dma_wait3A_145 = arith.constant 0 : i32
      %dma_wait3A_146 = tpu.memref_slice %arg6[%dma_wait3A_143, %dma_wait3A_144, %dma_wait3A_145] : memref<4x128x128xf32, #tpu.memory_space<vmem>> -> memref<1x128x128xf32, #tpu.memory_space<vmem>>
      %dma_wait3A_147 = tpu.memref_squeeze %dma_wait3A_146 : memref<1x128x128xf32, #tpu.memory_space<vmem>> -> memref<128x128xf32, #tpu.memory_space<vmem>>
      %dma_wait3A_148 = arith.constant 0 : i32
      %dma_wait3A_149 = tpu.memref_slice %arg5[%add3A_142, %dma_wait3A_148] : memref<200x128xi32, #tpu.memory_space<vmem>> -> memref<1x128xi32, #tpu.memory_space<vmem>>
      %dma_wait3A_150 = tpu.memref_squeeze %dma_wait3A_149 : memref<1x128xi32, #tpu.memory_space<vmem>> -> memref<128xi32, #tpu.memory_space<vmem>>
      %dma_wait3A_151 = arith.constant 0 : i32
      %dma_wait3A_152 = arith.constant 0 : i32
      %dma_wait3A_153 = tpu.memref_slice %arg3[%dma_wait3A_151, %dma_wait3A_152] : memref<1000000x128xf32, #tpu.memory_space<hbm>> -> memref<1000000x128xf32, #tpu.memory_space<hbm>>
      tpu.wait_indirect_dma semaphore(%arg9 : memref<!tpu.dma_semaphore, #tpu.memory_space<semaphore_mem>>) src(%dma_wait3A_153 : memref<1000000x128xf32, #tpu.memory_space<hbm>>) dst(%dma_wait3A_147 : memref<128x128xf32, #tpu.memory_space<vmem>>)
      %ge3A_154 = arith.constant 1 : i32
      %ge3A_155 = arith.cmpi sge, %add3A_142, %ge3A_154 : i32
      %convert_element_type3A_156 = arith.extui %ge3A_155 : i1 to i32
      %cond3A_157 = arith.constant 0 : i32
      %cond3A_158 = arith.cmpi ne, %convert_element_type3A_156, %cond3A_157 : i32
      scf.if %cond3A_158 {
        %sub3A = arith.constant 1 : i32
        %sub3A_259 = arith.subi %add3A_142, %sub3A : i32
        %max3A = arith.constant 0 : i32
        %max3A_260 = arith.maxsi %sub3A_259, %max3A : i32
        %dma_start3A_261 = arith.constant 0 : i32
        %dma_start3A_262 = arith.constant 0 : i32
        %dma_start3A_263 = arith.constant 0 : i32
        %dma_start3A_264 = tpu.memref_slice %arg7[%dma_start3A_261, %dma_start3A_262, %dma_start3A_263] : memref<2x128x64xf32, #tpu.memory_space<vmem>> -> memref<1x128x64xf32, #tpu.memory_space<vmem>>
        %dma_start3A_265 = tpu.memref_squeeze %dma_start3A_264 : memref<1x128x64xf32, #tpu.memory_space<vmem>> -> memref<128x64xf32, #tpu.memory_space<vmem>>
        %dma_start3A_266 = arith.constant 0 : i32
        %dma_start3A_267 = tpu.memref_slice %arg4[%mul3A_2, %max3A_260, %dma_start3A_266] : memref<4096x200x64xf32, #tpu.memory_space<hbm>> -> memref<128x1x64xf32, #tpu.memory_space<hbm>>
        %dma_start3A_268 = tpu.memref_squeeze %dma_start3A_267 : memref<128x1x64xf32, #tpu.memory_space<hbm>> -> memref<128x64xf32, #tpu.memory_space<hbm>>
        %dma_start3A_269 = arith.constant 0 : i32
        %dma_start3A_270 = tpu.memref_slice %arg4[%mul3A_2, %max3A_260, %dma_start3A_269] : memref<4096x200x64xf32, #tpu.memory_space<hbm>> -> memref<128x1x64xf32, #tpu.memory_space<hbm>>
        %dma_start3A_271 = tpu.memref_squeeze %dma_start3A_270 : memref<128x1x64xf32, #tpu.memory_space<hbm>> -> memref<128x64xf32, #tpu.memory_space<hbm>>
        %dma_start3A_272 = arith.constant 0 : i32
        %dma_start3A_273 = arith.constant 0 : i32
        %dma_start3A_274 = tpu.memref_slice %arg7[%dma_start3A_261, %dma_start3A_272, %dma_start3A_273] : memref<2x128x64xf32, #tpu.memory_space<vmem>> -> memref<1x128x64xf32, #tpu.memory_space<vmem>>
        %dma_start3A_275 = tpu.memref_squeeze %dma_start3A_274 : memref<1x128x64xf32, #tpu.memory_space<vmem>> -> memref<128x64xf32, #tpu.memory_space<vmem>>
        tpu.enqueue_dma source(%dma_start3A_275 : memref<128x64xf32, #tpu.memory_space<vmem>>) target(%dma_start3A_271 : memref<128x64xf32, #tpu.memory_space<hbm>>) target_semaphore(%arg12 : memref<!tpu.dma_semaphore, #tpu.memory_space<semaphore_mem>>)
      } else {
      }
      %ge3A_159 = arith.constant 2 : i32
      %ge3A_160 = arith.cmpi sge, %add3A_142, %ge3A_159 : i32
      %convert_element_type3A_161 = arith.extui %ge3A_160 : i1 to i32
      %cond3A_162 = arith.constant 0 : i32
      %cond3A_163 = arith.cmpi ne, %convert_element_type3A_161, %cond3A_162 : i32
      scf.if %cond3A_163 {
        %sub3A = arith.constant 2 : i32
        %sub3A_259 = arith.subi %add3A_142, %sub3A : i32
        %max3A = arith.constant 0 : i32
        %max3A_260 = arith.maxsi %sub3A_259, %max3A : i32
        %dma_wait3A_261 = arith.constant 1 : i32
        %dma_wait3A_262 = arith.constant 0 : i32
        %dma_wait3A_263 = arith.constant 0 : i32
        %dma_wait3A_264 = tpu.memref_slice %arg7[%dma_wait3A_261, %dma_wait3A_262, %dma_wait3A_263] : memref<2x128x64xf32, #tpu.memory_space<vmem>> -> memref<1x128x64xf32, #tpu.memory_space<vmem>>
        %dma_wait3A_265 = tpu.memref_squeeze %dma_wait3A_264 : memref<1x128x64xf32, #tpu.memory_space<vmem>> -> memref<128x64xf32, #tpu.memory_space<vmem>>
        %dma_wait3A_266 = arith.constant 0 : i32
        %dma_wait3A_267 = tpu.memref_slice %arg4[%mul3A_2, %max3A_260, %dma_wait3A_266] : memref<4096x200x64xf32, #tpu.memory_space<hbm>> -> memref<128x1x64xf32, #tpu.memory_space<hbm>>
        %dma_wait3A_268 = tpu.memref_squeeze %dma_wait3A_267 : memref<128x1x64xf32, #tpu.memory_space<hbm>> -> memref<128x64xf32, #tpu.memory_space<hbm>>
        %dma_wait3A_269 = arith.constant 0 : i32
        %dma_wait3A_270 = tpu.memref_slice %arg4[%mul3A_2, %max3A_260, %dma_wait3A_269] : memref<4096x200x64xf32, #tpu.memory_space<hbm>> -> memref<128x1x64xf32, #tpu.memory_space<hbm>>
        %dma_wait3A_271 = tpu.memref_squeeze %dma_wait3A_270 : memref<128x1x64xf32, #tpu.memory_space<hbm>> -> memref<128x64xf32, #tpu.memory_space<hbm>>
        %dma_wait3A_272 = arith.constant 0 : i32
        %dma_wait3A_273 = arith.constant 0 : i32
        %dma_wait3A_274 = tpu.memref_slice %arg7[%dma_wait3A_261, %dma_wait3A_272, %dma_wait3A_273] : memref<2x128x64xf32, #tpu.memory_space<vmem>> -> memref<1x128x64xf32, #tpu.memory_space<vmem>>
        %dma_wait3A_275 = tpu.memref_squeeze %dma_wait3A_274 : memref<1x128x64xf32, #tpu.memory_space<vmem>> -> memref<128x64xf32, #tpu.memory_space<vmem>>
        tpu.wait_dma2 semaphore(%arg13 : memref<!tpu.dma_semaphore, #tpu.memory_space<semaphore_mem>>) src(%dma_wait3A_275 : memref<128x64xf32, #tpu.memory_space<vmem>>) dst(%dma_wait3A_271 : memref<128x64xf32, #tpu.memory_space<hbm>>)
      } else {
      }
      %scan3A_164 = arith.constant 0 : i32
      %scan3A_165 = arith.constant 1 : i32
      %scan3A_166 = arith.constant 1 : i32
      %scan3A_167 = arith.constant 0 : i32
      %scan3A_168 = arith.constant 128 : i32
      %scan3A_169 = arith.addi %scan3A_167, %scan3A_168 : i32
      %scan3A_170 = arith.constant 1 : i32
      scf.for %scan3A_259 = %scan3A_167 to %scan3A_169 step %scan3A_170  : i32 {
        %get3A = arith.constant 0 : i32
        %get3A_260 = arith.constant 0 : i32
        %get3A_261 = tpu.memref_slice %arg6[%scan3A_165, %get3A, %get3A_260] : memref<4x128x128xf32, #tpu.memory_space<vmem>> -> memref<1x128x128xf32, #tpu.memory_space<vmem>>
        %get3A_262 = tpu.memref_squeeze %get3A_261 : memref<1x128x128xf32, #tpu.memory_space<vmem>> -> memref<128x128xf32, #tpu.memory_space<vmem>>
        %get3A_263 = arith.index_cast %scan3A_259 : i32 to index
        %get3A_264 = arith.constant 0 : index
        %get3A_265 = tpu.vector_load %get3A_262[%get3A_263, %get3A_264] {strides = array<i32>} : memref<128x128xf32, #tpu.memory_space<vmem>>, vector<1x16xf32>,
        %get3A_266 = vector.shape_cast %get3A_265 : vector<1x16xf32> to vector<16xf32>
        %swap3A = arith.constant 0 : i32
        %swap3A_267 = arith.constant 0 : i32
        %swap3A_268 = tpu.memref_slice %arg7[%scan3A_166, %swap3A, %swap3A_267] : memref<2x128x64xf32, #tpu.memory_space<vmem>> -> memref<1x128x64xf32, #tpu.memory_space<vmem>>
        %swap3A_269 = tpu.memref_squeeze %swap3A_268 : memref<1x128x64xf32, #tpu.memory_space<vmem>> -> memref<128x64xf32, #tpu.memory_space<vmem>>
        %swap3A_270 = arith.index_cast %scan3A_259 : i32 to index
        %swap3A_271 = arith.constant 0 : index
        %swap3A_272 = tpu.vector_load %swap3A_269[%swap3A_270, %swap3A_271] {strides = array<i32>} : memref<128x64xf32, #tpu.memory_space<vmem>>, vector<1x16xf32>,
        %swap3A_273 = vector.shape_cast %swap3A_272 : vector<1x16xf32> to vector<16xf32>
        %swap3A_274 = vector.shape_cast %get3A_266 : vector<16xf32> to vector<1x16xf32>
        tpu.vector_store %swap3A_269[%swap3A_270, %swap3A_271], %swap3A_274 {strides = array<i32>} : memref<128x64xf32, #tpu.memory_space<vmem>>, vector<1x16xf32>,
        %get3A_275 = arith.constant 0 : i32
        %get3A_276 = arith.constant 0 : i32
        %get3A_277 = tpu.memref_slice %arg6[%scan3A_165, %get3A_275, %get3A_276] : memref<4x128x128xf32, #tpu.memory_space<vmem>> -> memref<1x128x128xf32, #tpu.memory_space<vmem>>
        %get3A_278 = tpu.memref_squeeze %get3A_277 : memref<1x128x128xf32, #tpu.memory_space<vmem>> -> memref<128x128xf32, #tpu.memory_space<vmem>>
        %get3A_279 = arith.index_cast %scan3A_259 : i32 to index
        %get3A_280 = arith.constant 16 : index
        %get3A_281 = tpu.vector_load %get3A_278[%get3A_279, %get3A_280] {strides = array<i32>} : memref<128x128xf32, #tpu.memory_space<vmem>>, vector<1x16xf32>,
        %get3A_282 = vector.shape_cast %get3A_281 : vector<1x16xf32> to vector<16xf32>
        %swap3A_283 = arith.constant 0 : i32
        %swap3A_284 = arith.constant 0 : i32
        %swap3A_285 = tpu.memref_slice %arg7[%scan3A_166, %swap3A_283, %swap3A_284] : memref<2x128x64xf32, #tpu.memory_space<vmem>> -> memref<1x128x64xf32, #tpu.memory_space<vmem>>
        %swap3A_286 = tpu.memref_squeeze %swap3A_285 : memref<1x128x64xf32, #tpu.memory_space<vmem>> -> memref<128x64xf32, #tpu.memory_space<vmem>>
        %swap3A_287 = arith.index_cast %scan3A_259 : i32 to index
        %swap3A_288 = arith.constant 16 : index
        %swap3A_289 = tpu.vector_load %swap3A_286[%swap3A_287, %swap3A_288] {strides = array<i32>} : memref<128x64xf32, #tpu.memory_space<vmem>>, vector<1x16xf32>,
        %swap3A_290 = vector.shape_cast %swap3A_289 : vector<1x16xf32> to vector<16xf32>
        %swap3A_291 = vector.shape_cast %get3A_282 : vector<16xf32> to vector<1x16xf32>
        tpu.vector_store %swap3A_286[%swap3A_287, %swap3A_288], %swap3A_291 {strides = array<i32>} : memref<128x64xf32, #tpu.memory_space<vmem>>, vector<1x16xf32>,
        %get3A_292 = arith.constant 0 : i32
        %get3A_293 = arith.constant 0 : i32
        %get3A_294 = tpu.memref_slice %arg6[%scan3A_165, %get3A_292, %get3A_293] : memref<4x128x128xf32, #tpu.memory_space<vmem>> -> memref<1x128x128xf32, #tpu.memory_space<vmem>>
        %get3A_295 = tpu.memref_squeeze %get3A_294 : memref<1x128x128xf32, #tpu.memory_space<vmem>> -> memref<128x128xf32, #tpu.memory_space<vmem>>
        %get3A_296 = arith.index_cast %scan3A_259 : i32 to index
        %get3A_297 = arith.constant 32 : index
        %get3A_298 = tpu.vector_load %get3A_295[%get3A_296, %get3A_297] {strides = array<i32>} : memref<128x128xf32, #tpu.memory_space<vmem>>, vector<1x16xf32>,
        %get3A_299 = vector.shape_cast %get3A_298 : vector<1x16xf32> to vector<16xf32>
        %swap3A_300 = arith.constant 0 : i32
        %swap3A_301 = arith.constant 0 : i32
        %swap3A_302 = tpu.memref_slice %arg7[%scan3A_166, %swap3A_300, %swap3A_301] : memref<2x128x64xf32, #tpu.memory_space<vmem>> -> memref<1x128x64xf32, #tpu.memory_space<vmem>>
        %swap3A_303 = tpu.memref_squeeze %swap3A_302 : memref<1x128x64xf32, #tpu.memory_space<vmem>> -> memref<128x64xf32, #tpu.memory_space<vmem>>
        %swap3A_304 = arith.index_cast %scan3A_259 : i32 to index
        %swap3A_305 = arith.constant 32 : index
        %swap3A_306 = tpu.vector_load %swap3A_303[%swap3A_304, %swap3A_305] {strides = array<i32>} : memref<128x64xf32, #tpu.memory_space<vmem>>, vector<1x16xf32>,
        %swap3A_307 = vector.shape_cast %swap3A_306 : vector<1x16xf32> to vector<16xf32>
        %swap3A_308 = vector.shape_cast %get3A_299 : vector<16xf32> to vector<1x16xf32>
        tpu.vector_store %swap3A_303[%swap3A_304, %swap3A_305], %swap3A_308 {strides = array<i32>} : memref<128x64xf32, #tpu.memory_space<vmem>>, vector<1x16xf32>,
        %get3A_309 = arith.constant 0 : i32
        %get3A_310 = arith.constant 0 : i32
        %get3A_311 = tpu.memref_slice %arg6[%scan3A_165, %get3A_309, %get3A_310] : memref<4x128x128xf32, #tpu.memory_space<vmem>> -> memref<1x128x128xf32, #tpu.memory_space<vmem>>
        %get3A_312 = tpu.memref_squeeze %get3A_311 : memref<1x128x128xf32, #tpu.memory_space<vmem>> -> memref<128x128xf32, #tpu.memory_space<vmem>>
        %get3A_313 = arith.index_cast %scan3A_259 : i32 to index
        %get3A_314 = arith.constant 48 : index
        %get3A_315 = tpu.vector_load %get3A_312[%get3A_313, %get3A_314] {strides = array<i32>} : memref<128x128xf32, #tpu.memory_space<vmem>>, vector<1x16xf32>,
        %get3A_316 = vector.shape_cast %get3A_315 : vector<1x16xf32> to vector<16xf32>
        %swap3A_317 = arith.constant 0 : i32
        %swap3A_318 = arith.constant 0 : i32
        %swap3A_319 = tpu.memref_slice %arg7[%scan3A_166, %swap3A_317, %swap3A_318] : memref<2x128x64xf32, #tpu.memory_space<vmem>> -> memref<1x128x64xf32, #tpu.memory_space<vmem>>
        %swap3A_320 = tpu.memref_squeeze %swap3A_319 : memref<1x128x64xf32, #tpu.memory_space<vmem>> -> memref<128x64xf32, #tpu.memory_space<vmem>>
        %swap3A_321 = arith.index_cast %scan3A_259 : i32 to index
        %swap3A_322 = arith.constant 48 : index
        %swap3A_323 = tpu.vector_load %swap3A_320[%swap3A_321, %swap3A_322] {strides = array<i32>} : memref<128x64xf32, #tpu.memory_space<vmem>>, vector<1x16xf32>,
        %swap3A_324 = vector.shape_cast %swap3A_323 : vector<1x16xf32> to vector<16xf32>
        %swap3A_325 = vector.shape_cast %get3A_316 : vector<16xf32> to vector<1x16xf32>
        tpu.vector_store %swap3A_320[%swap3A_321, %swap3A_322], %swap3A_325 {strides = array<i32>} : memref<128x64xf32, #tpu.memory_space<vmem>>, vector<1x16xf32>,
      }
      %scan3A_171 = arith.constant 128 : i32
      %add3A_172 = arith.constant 4 : i32
      %add3A_173 = arith.addi %add3A_142, %add3A_172 : i32
      %lt3A_174 = arith.constant 200 : i32
      %lt3A_175 = arith.cmpi slt, %add3A_173, %lt3A_174 : i32
      %convert_element_type3A_176 = arith.extui %lt3A_175 : i1 to i32
      %cond3A_177 = arith.constant 0 : i32
      %cond3A_178 = arith.cmpi ne, %convert_element_type3A_176, %cond3A_177 : i32
      scf.if %cond3A_178 {
        %add3A_259 = arith.constant 4 : i32
        %add3A_260 = arith.addi %add3A_142, %add3A_259 : i32
        %min3A = arith.constant 199 : i32
        %min3A_261 = arith.minsi %add3A_260, %min3A : i32
        %dma_start3A_262 = arith.constant 1 : i32
        %dma_start3A_263 = arith.constant 0 : i32
        %dma_start3A_264 = arith.constant 0 : i32
        %dma_start3A_265 = tpu.memref_slice %arg6[%dma_start3A_262, %dma_start3A_263, %dma_start3A_264] : memref<4x128x128xf32, #tpu.memory_space<vmem>> -> memref<1x128x128xf32, #tpu.memory_space<vmem>>
        %dma_start3A_266 = tpu.memref_squeeze %dma_start3A_265 : memref<1x128x128xf32, #tpu.memory_space<vmem>> -> memref<128x128xf32, #tpu.memory_space<vmem>>
        %dma_start3A_267 = arith.constant 0 : i32
        %dma_start3A_268 = tpu.memref_slice %arg5[%min3A_261, %dma_start3A_267] : memref<200x128xi32, #tpu.memory_space<vmem>> -> memref<1x128xi32, #tpu.memory_space<vmem>>
        %dma_start3A_269 = tpu.memref_squeeze %dma_start3A_268 : memref<1x128xi32, #tpu.memory_space<vmem>> -> memref<128xi32, #tpu.memory_space<vmem>>
        %dma_start3A_270 = arith.constant 0 : i32
        %dma_start3A_271 = arith.constant 0 : i32
        %dma_start3A_272 = tpu.memref_slice %arg3[%dma_start3A_270, %dma_start3A_271] : memref<1000000x128xf32, #tpu.memory_space<hbm>> -> memref<1000000x128xf32, #tpu.memory_space<hbm>>
        tpu.enqueue_indirect_dma source(%dma_start3A_272 : memref<1000000x128xf32, #tpu.memory_space<hbm>>) target(%dma_start3A_266 : memref<128x128xf32, #tpu.memory_space<vmem>>) offsets(%dma_start3A_269 : memref<128xi32, #tpu.memory_space<vmem>>) semaphore(%arg9 : memref<!tpu.dma_semaphore, #tpu.memory_space<semaphore_mem>>)
      } else {
      }
      %mul3A_179 = arith.constant 4 : i32
      %mul3A_180 = arith.muli %scan3A_102, %mul3A_179 : i32
      %add3A_181 = arith.constant 2 : i32
      %add3A_182 = arith.addi %mul3A_180, %add3A_181 : i32
      %dma_wait3A_183 = arith.constant 2 : i32
      %dma_wait3A_184 = arith.constant 0 : i32
      %dma_wait3A_185 = arith.constant 0 : i32
      %dma_wait3A_186 = tpu.memref_slice %arg6[%dma_wait3A_183, %dma_wait3A_184, %dma_wait3A_185] : memref<4x128x128xf32, #tpu.memory_space<vmem>> -> memref<1x128x128xf32, #tpu.memory_space<vmem>>
      %dma_wait3A_187 = tpu.memref_squeeze %dma_wait3A_186 : memref<1x128x128xf32, #tpu.memory_space<vmem>> -> memref<128x128xf32, #tpu.memory_space<vmem>>
      %dma_wait3A_188 = arith.constant 0 : i32
      %dma_wait3A_189 = tpu.memref_slice %arg5[%add3A_182, %dma_wait3A_188] : memref<200x128xi32, #tpu.memory_space<vmem>> -> memref<1x128xi32, #tpu.memory_space<vmem>>
      %dma_wait3A_190 = tpu.memref_squeeze %dma_wait3A_189 : memref<1x128xi32, #tpu.memory_space<vmem>> -> memref<128xi32, #tpu.memory_space<vmem>>
      %dma_wait3A_191 = arith.constant 0 : i32
      %dma_wait3A_192 = arith.constant 0 : i32
      %dma_wait3A_193 = tpu.memref_slice %arg3[%dma_wait3A_191, %dma_wait3A_192] : memref<1000000x128xf32, #tpu.memory_space<hbm>> -> memref<1000000x128xf32, #tpu.memory_space<hbm>>
      tpu.wait_indirect_dma semaphore(%arg10 : memref<!tpu.dma_semaphore, #tpu.memory_space<semaphore_mem>>) src(%dma_wait3A_193 : memref<1000000x128xf32, #tpu.memory_space<hbm>>) dst(%dma_wait3A_187 : memref<128x128xf32, #tpu.memory_space<vmem>>)
      %ge3A_194 = arith.constant 1 : i32
      %ge3A_195 = arith.cmpi sge, %add3A_182, %ge3A_194 : i32
      %convert_element_type3A_196 = arith.extui %ge3A_195 : i1 to i32
      %cond3A_197 = arith.constant 0 : i32
      %cond3A_198 = arith.cmpi ne, %convert_element_type3A_196, %cond3A_197 : i32
      scf.if %cond3A_198 {
        %sub3A = arith.constant 1 : i32
        %sub3A_259 = arith.subi %add3A_182, %sub3A : i32
        %max3A = arith.constant 0 : i32
        %max3A_260 = arith.maxsi %sub3A_259, %max3A : i32
        %dma_start3A_261 = arith.constant 1 : i32
        %dma_start3A_262 = arith.constant 0 : i32
        %dma_start3A_263 = arith.constant 0 : i32
        %dma_start3A_264 = tpu.memref_slice %arg7[%dma_start3A_261, %dma_start3A_262, %dma_start3A_263] : memref<2x128x64xf32, #tpu.memory_space<vmem>> -> memref<1x128x64xf32, #tpu.memory_space<vmem>>
        %dma_start3A_265 = tpu.memref_squeeze %dma_start3A_264 : memref<1x128x64xf32, #tpu.memory_space<vmem>> -> memref<128x64xf32, #tpu.memory_space<vmem>>
        %dma_start3A_266 = arith.constant 0 : i32
        %dma_start3A_267 = tpu.memref_slice %arg4[%mul3A_2, %max3A_260, %dma_start3A_266] : memref<4096x200x64xf32, #tpu.memory_space<hbm>> -> memref<128x1x64xf32, #tpu.memory_space<hbm>>
        %dma_start3A_268 = tpu.memref_squeeze %dma_start3A_267 : memref<128x1x64xf32, #tpu.memory_space<hbm>> -> memref<128x64xf32, #tpu.memory_space<hbm>>
        %dma_start3A_269 = arith.constant 0 : i32
        %dma_start3A_270 = tpu.memref_slice %arg4[%mul3A_2, %max3A_260, %dma_start3A_269] : memref<4096x200x64xf32, #tpu.memory_space<hbm>> -> memref<128x1x64xf32, #tpu.memory_space<hbm>>
        %dma_start3A_271 = tpu.memref_squeeze %dma_start3A_270 : memref<128x1x64xf32, #tpu.memory_space<hbm>> -> memref<128x64xf32, #tpu.memory_space<hbm>>
        %dma_start3A_272 = arith.constant 0 : i32
        %dma_start3A_273 = arith.constant 0 : i32
        %dma_start3A_274 = tpu.memref_slice %arg7[%dma_start3A_261, %dma_start3A_272, %dma_start3A_273] : memref<2x128x64xf32, #tpu.memory_space<vmem>> -> memref<1x128x64xf32, #tpu.memory_space<vmem>>
        %dma_start3A_275 = tpu.memref_squeeze %dma_start3A_274 : memref<1x128x64xf32, #tpu.memory_space<vmem>> -> memref<128x64xf32, #tpu.memory_space<vmem>>
        tpu.enqueue_dma source(%dma_start3A_275 : memref<128x64xf32, #tpu.memory_space<vmem>>) target(%dma_start3A_271 : memref<128x64xf32, #tpu.memory_space<hbm>>) target_semaphore(%arg13 : memref<!tpu.dma_semaphore, #tpu.memory_space<semaphore_mem>>)
      } else {
      }
      %ge3A_199 = arith.constant 2 : i32
      %ge3A_200 = arith.cmpi sge, %add3A_182, %ge3A_199 : i32
      %convert_element_type3A_201 = arith.extui %ge3A_200 : i1 to i32
      %cond3A_202 = arith.constant 0 : i32
      %cond3A_203 = arith.cmpi ne, %convert_element_type3A_201, %cond3A_202 : i32
      scf.if %cond3A_203 {
        %sub3A = arith.constant 2 : i32
        %sub3A_259 = arith.subi %add3A_182, %sub3A : i32
        %max3A = arith.constant 0 : i32
        %max3A_260 = arith.maxsi %sub3A_259, %max3A : i32
        %dma_wait3A_261 = arith.constant 0 : i32
        %dma_wait3A_262 = arith.constant 0 : i32
        %dma_wait3A_263 = arith.constant 0 : i32
        %dma_wait3A_264 = tpu.memref_slice %arg7[%dma_wait3A_261, %dma_wait3A_262, %dma_wait3A_263] : memref<2x128x64xf32, #tpu.memory_space<vmem>> -> memref<1x128x64xf32, #tpu.memory_space<vmem>>
        %dma_wait3A_265 = tpu.memref_squeeze %dma_wait3A_264 : memref<1x128x64xf32, #tpu.memory_space<vmem>> -> memref<128x64xf32, #tpu.memory_space<vmem>>
        %dma_wait3A_266 = arith.constant 0 : i32
        %dma_wait3A_267 = tpu.memref_slice %arg4[%mul3A_2, %max3A_260, %dma_wait3A_266] : memref<4096x200x64xf32, #tpu.memory_space<hbm>> -> memref<128x1x64xf32, #tpu.memory_space<hbm>>
        %dma_wait3A_268 = tpu.memref_squeeze %dma_wait3A_267 : memref<128x1x64xf32, #tpu.memory_space<hbm>> -> memref<128x64xf32, #tpu.memory_space<hbm>>
        %dma_wait3A_269 = arith.constant 0 : i32
        %dma_wait3A_270 = tpu.memref_slice %arg4[%mul3A_2, %max3A_260, %dma_wait3A_269] : memref<4096x200x64xf32, #tpu.memory_space<hbm>> -> memref<128x1x64xf32, #tpu.memory_space<hbm>>
        %dma_wait3A_271 = tpu.memref_squeeze %dma_wait3A_270 : memref<128x1x64xf32, #tpu.memory_space<hbm>> -> memref<128x64xf32, #tpu.memory_space<hbm>>
        %dma_wait3A_272 = arith.constant 0 : i32
        %dma_wait3A_273 = arith.constant 0 : i32
        %dma_wait3A_274 = tpu.memref_slice %arg7[%dma_wait3A_261, %dma_wait3A_272, %dma_wait3A_273] : memref<2x128x64xf32, #tpu.memory_space<vmem>> -> memref<1x128x64xf32, #tpu.memory_space<vmem>>
        %dma_wait3A_275 = tpu.memref_squeeze %dma_wait3A_274 : memref<1x128x64xf32, #tpu.memory_space<vmem>> -> memref<128x64xf32, #tpu.memory_space<vmem>>
        tpu.wait_dma2 semaphore(%arg12 : memref<!tpu.dma_semaphore, #tpu.memory_space<semaphore_mem>>) src(%dma_wait3A_275 : memref<128x64xf32, #tpu.memory_space<vmem>>) dst(%dma_wait3A_271 : memref<128x64xf32, #tpu.memory_space<hbm>>)
      } else {
      }
      %scan3A_204 = arith.constant 0 : i32
      %scan3A_205 = arith.constant 2 : i32
      %scan3A_206 = arith.constant 0 : i32
      %scan3A_207 = arith.constant 0 : i32
      %scan3A_208 = arith.constant 128 : i32
      %scan3A_209 = arith.addi %scan3A_207, %scan3A_208 : i32
      %scan3A_210 = arith.constant 1 : i32
      scf.for %scan3A_259 = %scan3A_207 to %scan3A_209 step %scan3A_210  : i32 {
        %get3A = arith.constant 0 : i32
        %get3A_260 = arith.constant 0 : i32
        %get3A_261 = tpu.memref_slice %arg6[%scan3A_205, %get3A, %get3A_260] : memref<4x128x128xf32, #tpu.memory_space<vmem>> -> memref<1x128x128xf32, #tpu.memory_space<vmem>>
        %get3A_262 = tpu.memref_squeeze %get3A_261 : memref<1x128x128xf32, #tpu.memory_space<vmem>> -> memref<128x128xf32, #tpu.memory_space<vmem>>
        %get3A_263 = arith.index_cast %scan3A_259 : i32 to index
        %get3A_264 = arith.constant 0 : index
        %get3A_265 = tpu.vector_load %get3A_262[%get3A_263, %get3A_264] {strides = array<i32>} : memref<128x128xf32, #tpu.memory_space<vmem>>, vector<1x16xf32>,
        %get3A_266 = vector.shape_cast %get3A_265 : vector<1x16xf32> to vector<16xf32>
        %swap3A = arith.constant 0 : i32
        %swap3A_267 = arith.constant 0 : i32
        %swap3A_268 = tpu.memref_slice %arg7[%scan3A_206, %swap3A, %swap3A_267] : memref<2x128x64xf32, #tpu.memory_space<vmem>> -> memref<1x128x64xf32, #tpu.memory_space<vmem>>
        %swap3A_269 = tpu.memref_squeeze %swap3A_268 : memref<1x128x64xf32, #tpu.memory_space<vmem>> -> memref<128x64xf32, #tpu.memory_space<vmem>>
        %swap3A_270 = arith.index_cast %scan3A_259 : i32 to index
        %swap3A_271 = arith.constant 0 : index
        %swap3A_272 = tpu.vector_load %swap3A_269[%swap3A_270, %swap3A_271] {strides = array<i32>} : memref<128x64xf32, #tpu.memory_space<vmem>>, vector<1x16xf32>,
        %swap3A_273 = vector.shape_cast %swap3A_272 : vector<1x16xf32> to vector<16xf32>
        %swap3A_274 = vector.shape_cast %get3A_266 : vector<16xf32> to vector<1x16xf32>
        tpu.vector_store %swap3A_269[%swap3A_270, %swap3A_271], %swap3A_274 {strides = array<i32>} : memref<128x64xf32, #tpu.memory_space<vmem>>, vector<1x16xf32>,
        %get3A_275 = arith.constant 0 : i32
        %get3A_276 = arith.constant 0 : i32
        %get3A_277 = tpu.memref_slice %arg6[%scan3A_205, %get3A_275, %get3A_276] : memref<4x128x128xf32, #tpu.memory_space<vmem>> -> memref<1x128x128xf32, #tpu.memory_space<vmem>>
        %get3A_278 = tpu.memref_squeeze %get3A_277 : memref<1x128x128xf32, #tpu.memory_space<vmem>> -> memref<128x128xf32, #tpu.memory_space<vmem>>
        %get3A_279 = arith.index_cast %scan3A_259 : i32 to index
        %get3A_280 = arith.constant 16 : index
        %get3A_281 = tpu.vector_load %get3A_278[%get3A_279, %get3A_280] {strides = array<i32>} : memref<128x128xf32, #tpu.memory_space<vmem>>, vector<1x16xf32>,
        %get3A_282 = vector.shape_cast %get3A_281 : vector<1x16xf32> to vector<16xf32>
        %swap3A_283 = arith.constant 0 : i32
        %swap3A_284 = arith.constant 0 : i32
        %swap3A_285 = tpu.memref_slice %arg7[%scan3A_206, %swap3A_283, %swap3A_284] : memref<2x128x64xf32, #tpu.memory_space<vmem>> -> memref<1x128x64xf32, #tpu.memory_space<vmem>>
        %swap3A_286 = tpu.memref_squeeze %swap3A_285 : memref<1x128x64xf32, #tpu.memory_space<vmem>> -> memref<128x64xf32, #tpu.memory_space<vmem>>
        %swap3A_287 = arith.index_cast %scan3A_259 : i32 to index
        %swap3A_288 = arith.constant 16 : index
        %swap3A_289 = tpu.vector_load %swap3A_286[%swap3A_287, %swap3A_288] {strides = array<i32>} : memref<128x64xf32, #tpu.memory_space<vmem>>, vector<1x16xf32>,
        %swap3A_290 = vector.shape_cast %swap3A_289 : vector<1x16xf32> to vector<16xf32>
        %swap3A_291 = vector.shape_cast %get3A_282 : vector<16xf32> to vector<1x16xf32>
        tpu.vector_store %swap3A_286[%swap3A_287, %swap3A_288], %swap3A_291 {strides = array<i32>} : memref<128x64xf32, #tpu.memory_space<vmem>>, vector<1x16xf32>,
        %get3A_292 = arith.constant 0 : i32
        %get3A_293 = arith.constant 0 : i32
        %get3A_294 = tpu.memref_slice %arg6[%scan3A_205, %get3A_292, %get3A_293] : memref<4x128x128xf32, #tpu.memory_space<vmem>> -> memref<1x128x128xf32, #tpu.memory_space<vmem>>
        %get3A_295 = tpu.memref_squeeze %get3A_294 : memref<1x128x128xf32, #tpu.memory_space<vmem>> -> memref<128x128xf32, #tpu.memory_space<vmem>>
        %get3A_296 = arith.index_cast %scan3A_259 : i32 to index
        %get3A_297 = arith.constant 32 : index
        %get3A_298 = tpu.vector_load %get3A_295[%get3A_296, %get3A_297] {strides = array<i32>} : memref<128x128xf32, #tpu.memory_space<vmem>>, vector<1x16xf32>,
        %get3A_299 = vector.shape_cast %get3A_298 : vector<1x16xf32> to vector<16xf32>
        %swap3A_300 = arith.constant 0 : i32
        %swap3A_301 = arith.constant 0 : i32
        %swap3A_302 = tpu.memref_slice %arg7[%scan3A_206, %swap3A_300, %swap3A_301] : memref<2x128x64xf32, #tpu.memory_space<vmem>> -> memref<1x128x64xf32, #tpu.memory_space<vmem>>
        %swap3A_303 = tpu.memref_squeeze %swap3A_302 : memref<1x128x64xf32, #tpu.memory_space<vmem>> -> memref<128x64xf32, #tpu.memory_space<vmem>>
        %swap3A_304 = arith.index_cast %scan3A_259 : i32 to index
        %swap3A_305 = arith.constant 32 : index
        %swap3A_306 = tpu.vector_load %swap3A_303[%swap3A_304, %swap3A_305] {strides = array<i32>} : memref<128x64xf32, #tpu.memory_space<vmem>>, vector<1x16xf32>,
        %swap3A_307 = vector.shape_cast %swap3A_306 : vector<1x16xf32> to vector<16xf32>
        %swap3A_308 = vector.shape_cast %get3A_299 : vector<16xf32> to vector<1x16xf32>
        tpu.vector_store %swap3A_303[%swap3A_304, %swap3A_305], %swap3A_308 {strides = array<i32>} : memref<128x64xf32, #tpu.memory_space<vmem>>, vector<1x16xf32>,
        %get3A_309 = arith.constant 0 : i32
        %get3A_310 = arith.constant 0 : i32
        %get3A_311 = tpu.memref_slice %arg6[%scan3A_205, %get3A_309, %get3A_310] : memref<4x128x128xf32, #tpu.memory_space<vmem>> -> memref<1x128x128xf32, #tpu.memory_space<vmem>>
        %get3A_312 = tpu.memref_squeeze %get3A_311 : memref<1x128x128xf32, #tpu.memory_space<vmem>> -> memref<128x128xf32, #tpu.memory_space<vmem>>
        %get3A_313 = arith.index_cast %scan3A_259 : i32 to index
        %get3A_314 = arith.constant 48 : index
        %get3A_315 = tpu.vector_load %get3A_312[%get3A_313, %get3A_314] {strides = array<i32>} : memref<128x128xf32, #tpu.memory_space<vmem>>, vector<1x16xf32>,
        %get3A_316 = vector.shape_cast %get3A_315 : vector<1x16xf32> to vector<16xf32>
        %swap3A_317 = arith.constant 0 : i32
        %swap3A_318 = arith.constant 0 : i32
        %swap3A_319 = tpu.memref_slice %arg7[%scan3A_206, %swap3A_317, %swap3A_318] : memref<2x128x64xf32, #tpu.memory_space<vmem>> -> memref<1x128x64xf32, #tpu.memory_space<vmem>>
        %swap3A_320 = tpu.memref_squeeze %swap3A_319 : memref<1x128x64xf32, #tpu.memory_space<vmem>> -> memref<128x64xf32, #tpu.memory_space<vmem>>
        %swap3A_321 = arith.index_cast %scan3A_259 : i32 to index
        %swap3A_322 = arith.constant 48 : index
        %swap3A_323 = tpu.vector_load %swap3A_320[%swap3A_321, %swap3A_322] {strides = array<i32>} : memref<128x64xf32, #tpu.memory_space<vmem>>, vector<1x16xf32>,
        %swap3A_324 = vector.shape_cast %swap3A_323 : vector<1x16xf32> to vector<16xf32>
        %swap3A_325 = vector.shape_cast %get3A_316 : vector<16xf32> to vector<1x16xf32>
        tpu.vector_store %swap3A_320[%swap3A_321, %swap3A_322], %swap3A_325 {strides = array<i32>} : memref<128x64xf32, #tpu.memory_space<vmem>>, vector<1x16xf32>,
      }
      %scan3A_211 = arith.constant 128 : i32
      %add3A_212 = arith.constant 4 : i32
      %add3A_213 = arith.addi %add3A_182, %add3A_212 : i32
      %lt3A_214 = arith.constant 200 : i32
      %lt3A_215 = arith.cmpi slt, %add3A_213, %lt3A_214 : i32
      %convert_element_type3A_216 = arith.extui %lt3A_215 : i1 to i32
      %cond3A_217 = arith.constant 0 : i32
      %cond3A_218 = arith.cmpi ne, %convert_element_type3A_216, %cond3A_217 : i32
      scf.if %cond3A_218 {
        %add3A_259 = arith.constant 4 : i32
        %add3A_260 = arith.addi %add3A_182, %add3A_259 : i32
        %min3A = arith.constant 199 : i32
        %min3A_261 = arith.minsi %add3A_260, %min3A : i32
        %dma_start3A_262 = arith.constant 2 : i32
        %dma_start3A_263 = arith.constant 0 : i32
        %dma_start3A_264 = arith.constant 0 : i32
        %dma_start3A_265 = tpu.memref_slice %arg6[%dma_start3A_262, %dma_start3A_263, %dma_start3A_264] : memref<4x128x128xf32, #tpu.memory_space<vmem>> -> memref<1x128x128xf32, #tpu.memory_space<vmem>>
        %dma_start3A_266 = tpu.memref_squeeze %dma_start3A_265 : memref<1x128x128xf32, #tpu.memory_space<vmem>> -> memref<128x128xf32, #tpu.memory_space<vmem>>
        %dma_start3A_267 = arith.constant 0 : i32
        %dma_start3A_268 = tpu.memref_slice %arg5[%min3A_261, %dma_start3A_267] : memref<200x128xi32, #tpu.memory_space<vmem>> -> memref<1x128xi32, #tpu.memory_space<vmem>>
        %dma_start3A_269 = tpu.memref_squeeze %dma_start3A_268 : memref<1x128xi32, #tpu.memory_space<vmem>> -> memref<128xi32, #tpu.memory_space<vmem>>
        %dma_start3A_270 = arith.constant 0 : i32
        %dma_start3A_271 = arith.constant 0 : i32
        %dma_start3A_272 = tpu.memref_slice %arg3[%dma_start3A_270, %dma_start3A_271] : memref<1000000x128xf32, #tpu.memory_space<hbm>> -> memref<1000000x128xf32, #tpu.memory_space<hbm>>
        tpu.enqueue_indirect_dma source(%dma_start3A_272 : memref<1000000x128xf32, #tpu.memory_space<hbm>>) target(%dma_start3A_266 : memref<128x128xf32, #tpu.memory_space<vmem>>) offsets(%dma_start3A_269 : memref<128xi32, #tpu.memory_space<vmem>>) semaphore(%arg10 : memref<!tpu.dma_semaphore, #tpu.memory_space<semaphore_mem>>)
      } else {
      }
      %mul3A_219 = arith.constant 4 : i32
      %mul3A_220 = arith.muli %scan3A_102, %mul3A_219 : i32
      %add3A_221 = arith.constant 3 : i32
      %add3A_222 = arith.addi %mul3A_220, %add3A_221 : i32
      %dma_wait3A_223 = arith.constant 3 : i32
      %dma_wait3A_224 = arith.constant 0 : i32
      %dma_wait3A_225 = arith.constant 0 : i32
      %dma_wait3A_226 = tpu.memref_slice %arg6[%dma_wait3A_223, %dma_wait3A_224, %dma_wait3A_225] : memref<4x128x128xf32, #tpu.memory_space<vmem>> -> memref<1x128x128xf32, #tpu.memory_space<vmem>>
      %dma_wait3A_227 = tpu.memref_squeeze %dma_wait3A_226 : memref<1x128x128xf32, #tpu.memory_space<vmem>> -> memref<128x128xf32, #tpu.memory_space<vmem>>
      %dma_wait3A_228 = arith.constant 0 : i32
      %dma_wait3A_229 = tpu.memref_slice %arg5[%add3A_222, %dma_wait3A_228] : memref<200x128xi32, #tpu.memory_space<vmem>> -> memref<1x128xi32, #tpu.memory_space<vmem>>
      %dma_wait3A_230 = tpu.memref_squeeze %dma_wait3A_229 : memref<1x128xi32, #tpu.memory_space<vmem>> -> memref<128xi32, #tpu.memory_space<vmem>>
      %dma_wait3A_231 = arith.constant 0 : i32
      %dma_wait3A_232 = arith.constant 0 : i32
      %dma_wait3A_233 = tpu.memref_slice %arg3[%dma_wait3A_231, %dma_wait3A_232] : memref<1000000x128xf32, #tpu.memory_space<hbm>> -> memref<1000000x128xf32, #tpu.memory_space<hbm>>
      tpu.wait_indirect_dma semaphore(%arg11 : memref<!tpu.dma_semaphore, #tpu.memory_space<semaphore_mem>>) src(%dma_wait3A_233 : memref<1000000x128xf32, #tpu.memory_space<hbm>>) dst(%dma_wait3A_227 : memref<128x128xf32, #tpu.memory_space<vmem>>)
      %ge3A_234 = arith.constant 1 : i32
      %ge3A_235 = arith.cmpi sge, %add3A_222, %ge3A_234 : i32
      %convert_element_type3A_236 = arith.extui %ge3A_235 : i1 to i32
      %cond3A_237 = arith.constant 0 : i32
      %cond3A_238 = arith.cmpi ne, %convert_element_type3A_236, %cond3A_237 : i32
      scf.if %cond3A_238 {
        %sub3A = arith.constant 1 : i32
        %sub3A_259 = arith.subi %add3A_222, %sub3A : i32
        %max3A = arith.constant 0 : i32
        %max3A_260 = arith.maxsi %sub3A_259, %max3A : i32
        %dma_start3A_261 = arith.constant 0 : i32
        %dma_start3A_262 = arith.constant 0 : i32
        %dma_start3A_263 = arith.constant 0 : i32
        %dma_start3A_264 = tpu.memref_slice %arg7[%dma_start3A_261, %dma_start3A_262, %dma_start3A_263] : memref<2x128x64xf32, #tpu.memory_space<vmem>> -> memref<1x128x64xf32, #tpu.memory_space<vmem>>
        %dma_start3A_265 = tpu.memref_squeeze %dma_start3A_264 : memref<1x128x64xf32, #tpu.memory_space<vmem>> -> memref<128x64xf32, #tpu.memory_space<vmem>>
        %dma_start3A_266 = arith.constant 0 : i32
        %dma_start3A_267 = tpu.memref_slice %arg4[%mul3A_2, %max3A_260, %dma_start3A_266] : memref<4096x200x64xf32, #tpu.memory_space<hbm>> -> memref<128x1x64xf32, #tpu.memory_space<hbm>>
        %dma_start3A_268 = tpu.memref_squeeze %dma_start3A_267 : memref<128x1x64xf32, #tpu.memory_space<hbm>> -> memref<128x64xf32, #tpu.memory_space<hbm>>
        %dma_start3A_269 = arith.constant 0 : i32
        %dma_start3A_270 = tpu.memref_slice %arg4[%mul3A_2, %max3A_260, %dma_start3A_269] : memref<4096x200x64xf32, #tpu.memory_space<hbm>> -> memref<128x1x64xf32, #tpu.memory_space<hbm>>
        %dma_start3A_271 = tpu.memref_squeeze %dma_start3A_270 : memref<128x1x64xf32, #tpu.memory_space<hbm>> -> memref<128x64xf32, #tpu.memory_space<hbm>>
        %dma_start3A_272 = arith.constant 0 : i32
        %dma_start3A_273 = arith.constant 0 : i32
        %dma_start3A_274 = tpu.memref_slice %arg7[%dma_start3A_261, %dma_start3A_272, %dma_start3A_273] : memref<2x128x64xf32, #tpu.memory_space<vmem>> -> memref<1x128x64xf32, #tpu.memory_space<vmem>>
        %dma_start3A_275 = tpu.memref_squeeze %dma_start3A_274 : memref<1x128x64xf32, #tpu.memory_space<vmem>> -> memref<128x64xf32, #tpu.memory_space<vmem>>
        tpu.enqueue_dma source(%dma_start3A_275 : memref<128x64xf32, #tpu.memory_space<vmem>>) target(%dma_start3A_271 : memref<128x64xf32, #tpu.memory_space<hbm>>) target_semaphore(%arg12 : memref<!tpu.dma_semaphore, #tpu.memory_space<semaphore_mem>>)
      } else {
      }
      %ge3A_239 = arith.constant 2 : i32
      %ge3A_240 = arith.cmpi sge, %add3A_222, %ge3A_239 : i32
      %convert_element_type3A_241 = arith.extui %ge3A_240 : i1 to i32
      %cond3A_242 = arith.constant 0 : i32
      %cond3A_243 = arith.cmpi ne, %convert_element_type3A_241, %cond3A_242 : i32
      scf.if %cond3A_243 {
        %sub3A = arith.constant 2 : i32
        %sub3A_259 = arith.subi %add3A_222, %sub3A : i32
        %max3A = arith.constant 0 : i32
        %max3A_260 = arith.maxsi %sub3A_259, %max3A : i32
        %dma_wait3A_261 = arith.constant 1 : i32
        %dma_wait3A_262 = arith.constant 0 : i32
        %dma_wait3A_263 = arith.constant 0 : i32
        %dma_wait3A_264 = tpu.memref_slice %arg7[%dma_wait3A_261, %dma_wait3A_262, %dma_wait3A_263] : memref<2x128x64xf32, #tpu.memory_space<vmem>> -> memref<1x128x64xf32, #tpu.memory_space<vmem>>
        %dma_wait3A_265 = tpu.memref_squeeze %dma_wait3A_264 : memref<1x128x64xf32, #tpu.memory_space<vmem>> -> memref<128x64xf32, #tpu.memory_space<vmem>>
        %dma_wait3A_266 = arith.constant 0 : i32
        %dma_wait3A_267 = tpu.memref_slice %arg4[%mul3A_2, %max3A_260, %dma_wait3A_266] : memref<4096x200x64xf32, #tpu.memory_space<hbm>> -> memref<128x1x64xf32, #tpu.memory_space<hbm>>
        %dma_wait3A_268 = tpu.memref_squeeze %dma_wait3A_267 : memref<128x1x64xf32, #tpu.memory_space<hbm>> -> memref<128x64xf32, #tpu.memory_space<hbm>>
        %dma_wait3A_269 = arith.constant 0 : i32
        %dma_wait3A_270 = tpu.memref_slice %arg4[%mul3A_2, %max3A_260, %dma_wait3A_269] : memref<4096x200x64xf32, #tpu.memory_space<hbm>> -> memref<128x1x64xf32, #tpu.memory_space<hbm>>
        %dma_wait3A_271 = tpu.memref_squeeze %dma_wait3A_270 : memref<128x1x64xf32, #tpu.memory_space<hbm>> -> memref<128x64xf32, #tpu.memory_space<hbm>>
        %dma_wait3A_272 = arith.constant 0 : i32
        %dma_wait3A_273 = arith.constant 0 : i32
        %dma_wait3A_274 = tpu.memref_slice %arg7[%dma_wait3A_261, %dma_wait3A_272, %dma_wait3A_273] : memref<2x128x64xf32, #tpu.memory_space<vmem>> -> memref<1x128x64xf32, #tpu.memory_space<vmem>>
        %dma_wait3A_275 = tpu.memref_squeeze %dma_wait3A_274 : memref<1x128x64xf32, #tpu.memory_space<vmem>> -> memref<128x64xf32, #tpu.memory_space<vmem>>
        tpu.wait_dma2 semaphore(%arg13 : memref<!tpu.dma_semaphore, #tpu.memory_space<semaphore_mem>>) src(%dma_wait3A_275 : memref<128x64xf32, #tpu.memory_space<vmem>>) dst(%dma_wait3A_271 : memref<128x64xf32, #tpu.memory_space<hbm>>)
      } else {
      }
      %scan3A_244 = arith.constant 0 : i32
      %scan3A_245 = arith.constant 3 : i32
      %scan3A_246 = arith.constant 1 : i32
      %scan3A_247 = arith.constant 0 : i32
      %scan3A_248 = arith.constant 128 : i32
      %scan3A_249 = arith.addi %scan3A_247, %scan3A_248 : i32
      %scan3A_250 = arith.constant 1 : i32
      scf.for %scan3A_259 = %scan3A_247 to %scan3A_249 step %scan3A_250  : i32 {
        %get3A = arith.constant 0 : i32
        %get3A_260 = arith.constant 0 : i32
        %get3A_261 = tpu.memref_slice %arg6[%scan3A_245, %get3A, %get3A_260] : memref<4x128x128xf32, #tpu.memory_space<vmem>> -> memref<1x128x128xf32, #tpu.memory_space<vmem>>
        %get3A_262 = tpu.memref_squeeze %get3A_261 : memref<1x128x128xf32, #tpu.memory_space<vmem>> -> memref<128x128xf32, #tpu.memory_space<vmem>>
        %get3A_263 = arith.index_cast %scan3A_259 : i32 to index
        %get3A_264 = arith.constant 0 : index
        %get3A_265 = tpu.vector_load %get3A_262[%get3A_263, %get3A_264] {strides = array<i32>} : memref<128x128xf32, #tpu.memory_space<vmem>>, vector<1x16xf32>,
        %get3A_266 = vector.shape_cast %get3A_265 : vector<1x16xf32> to vector<16xf32>
        %swap3A = arith.constant 0 : i32
        %swap3A_267 = arith.constant 0 : i32
        %swap3A_268 = tpu.memref_slice %arg7[%scan3A_246, %swap3A, %swap3A_267] : memref<2x128x64xf32, #tpu.memory_space<vmem>> -> memref<1x128x64xf32, #tpu.memory_space<vmem>>
        %swap3A_269 = tpu.memref_squeeze %swap3A_268 : memref<1x128x64xf32, #tpu.memory_space<vmem>> -> memref<128x64xf32, #tpu.memory_space<vmem>>
        %swap3A_270 = arith.index_cast %scan3A_259 : i32 to index
        %swap3A_271 = arith.constant 0 : index
        %swap3A_272 = tpu.vector_load %swap3A_269[%swap3A_270, %swap3A_271] {strides = array<i32>} : memref<128x64xf32, #tpu.memory_space<vmem>>, vector<1x16xf32>,
        %swap3A_273 = vector.shape_cast %swap3A_272 : vector<1x16xf32> to vector<16xf32>
        %swap3A_274 = vector.shape_cast %get3A_266 : vector<16xf32> to vector<1x16xf32>
        tpu.vector_store %swap3A_269[%swap3A_270, %swap3A_271], %swap3A_274 {strides = array<i32>} : memref<128x64xf32, #tpu.memory_space<vmem>>, vector<1x16xf32>,
        %get3A_275 = arith.constant 0 : i32
        %get3A_276 = arith.constant 0 : i32
        %get3A_277 = tpu.memref_slice %arg6[%scan3A_245, %get3A_275, %get3A_276] : memref<4x128x128xf32, #tpu.memory_space<vmem>> -> memref<1x128x128xf32, #tpu.memory_space<vmem>>
        %get3A_278 = tpu.memref_squeeze %get3A_277 : memref<1x128x128xf32, #tpu.memory_space<vmem>> -> memref<128x128xf32, #tpu.memory_space<vmem>>
        %get3A_279 = arith.index_cast %scan3A_259 : i32 to index
        %get3A_280 = arith.constant 16 : index
        %get3A_281 = tpu.vector_load %get3A_278[%get3A_279, %get3A_280] {strides = array<i32>} : memref<128x128xf32, #tpu.memory_space<vmem>>, vector<1x16xf32>,
        %get3A_282 = vector.shape_cast %get3A_281 : vector<1x16xf32> to vector<16xf32>
        %swap3A_283 = arith.constant 0 : i32
        %swap3A_284 = arith.constant 0 : i32
        %swap3A_285 = tpu.memref_slice %arg7[%scan3A_246, %swap3A_283, %swap3A_284] : memref<2x128x64xf32, #tpu.memory_space<vmem>> -> memref<1x128x64xf32, #tpu.memory_space<vmem>>
        %swap3A_286 = tpu.memref_squeeze %swap3A_285 : memref<1x128x64xf32, #tpu.memory_space<vmem>> -> memref<128x64xf32, #tpu.memory_space<vmem>>
        %swap3A_287 = arith.index_cast %scan3A_259 : i32 to index
        %swap3A_288 = arith.constant 16 : index
        %swap3A_289 = tpu.vector_load %swap3A_286[%swap3A_287, %swap3A_288] {strides = array<i32>} : memref<128x64xf32, #tpu.memory_space<vmem>>, vector<1x16xf32>,
        %swap3A_290 = vector.shape_cast %swap3A_289 : vector<1x16xf32> to vector<16xf32>
        %swap3A_291 = vector.shape_cast %get3A_282 : vector<16xf32> to vector<1x16xf32>
        tpu.vector_store %swap3A_286[%swap3A_287, %swap3A_288], %swap3A_291 {strides = array<i32>} : memref<128x64xf32, #tpu.memory_space<vmem>>, vector<1x16xf32>,
        %get3A_292 = arith.constant 0 : i32
        %get3A_293 = arith.constant 0 : i32
        %get3A_294 = tpu.memref_slice %arg6[%scan3A_245, %get3A_292, %get3A_293] : memref<4x128x128xf32, #tpu.memory_space<vmem>> -> memref<1x128x128xf32, #tpu.memory_space<vmem>>
        %get3A_295 = tpu.memref_squeeze %get3A_294 : memref<1x128x128xf32, #tpu.memory_space<vmem>> -> memref<128x128xf32, #tpu.memory_space<vmem>>
        %get3A_296 = arith.index_cast %scan3A_259 : i32 to index
        %get3A_297 = arith.constant 32 : index
        %get3A_298 = tpu.vector_load %get3A_295[%get3A_296, %get3A_297] {strides = array<i32>} : memref<128x128xf32, #tpu.memory_space<vmem>>, vector<1x16xf32>,
        %get3A_299 = vector.shape_cast %get3A_298 : vector<1x16xf32> to vector<16xf32>
        %swap3A_300 = arith.constant 0 : i32
        %swap3A_301 = arith.constant 0 : i32
        %swap3A_302 = tpu.memref_slice %arg7[%scan3A_246, %swap3A_300, %swap3A_301] : memref<2x128x64xf32, #tpu.memory_space<vmem>> -> memref<1x128x64xf32, #tpu.memory_space<vmem>>
        %swap3A_303 = tpu.memref_squeeze %swap3A_302 : memref<1x128x64xf32, #tpu.memory_space<vmem>> -> memref<128x64xf32, #tpu.memory_space<vmem>>
        %swap3A_304 = arith.index_cast %scan3A_259 : i32 to index
        %swap3A_305 = arith.constant 32 : index
        %swap3A_306 = tpu.vector_load %swap3A_303[%swap3A_304, %swap3A_305] {strides = array<i32>} : memref<128x64xf32, #tpu.memory_space<vmem>>, vector<1x16xf32>,
        %swap3A_307 = vector.shape_cast %swap3A_306 : vector<1x16xf32> to vector<16xf32>
        %swap3A_308 = vector.shape_cast %get3A_299 : vector<16xf32> to vector<1x16xf32>
        tpu.vector_store %swap3A_303[%swap3A_304, %swap3A_305], %swap3A_308 {strides = array<i32>} : memref<128x64xf32, #tpu.memory_space<vmem>>, vector<1x16xf32>,
        %get3A_309 = arith.constant 0 : i32
        %get3A_310 = arith.constant 0 : i32
        %get3A_311 = tpu.memref_slice %arg6[%scan3A_245, %get3A_309, %get3A_310] : memref<4x128x128xf32, #tpu.memory_space<vmem>> -> memref<1x128x128xf32, #tpu.memory_space<vmem>>
        %get3A_312 = tpu.memref_squeeze %get3A_311 : memref<1x128x128xf32, #tpu.memory_space<vmem>> -> memref<128x128xf32, #tpu.memory_space<vmem>>
        %get3A_313 = arith.index_cast %scan3A_259 : i32 to index
        %get3A_314 = arith.constant 48 : index
        %get3A_315 = tpu.vector_load %get3A_312[%get3A_313, %get3A_314] {strides = array<i32>} : memref<128x128xf32, #tpu.memory_space<vmem>>, vector<1x16xf32>,
        %get3A_316 = vector.shape_cast %get3A_315 : vector<1x16xf32> to vector<16xf32>
        %swap3A_317 = arith.constant 0 : i32
        %swap3A_318 = arith.constant 0 : i32
        %swap3A_319 = tpu.memref_slice %arg7[%scan3A_246, %swap3A_317, %swap3A_318] : memref<2x128x64xf32, #tpu.memory_space<vmem>> -> memref<1x128x64xf32, #tpu.memory_space<vmem>>
        %swap3A_320 = tpu.memref_squeeze %swap3A_319 : memref<1x128x64xf32, #tpu.memory_space<vmem>> -> memref<128x64xf32, #tpu.memory_space<vmem>>
        %swap3A_321 = arith.index_cast %scan3A_259 : i32 to index
        %swap3A_322 = arith.constant 48 : index
        %swap3A_323 = tpu.vector_load %swap3A_320[%swap3A_321, %swap3A_322] {strides = array<i32>} : memref<128x64xf32, #tpu.memory_space<vmem>>, vector<1x16xf32>,
        %swap3A_324 = vector.shape_cast %swap3A_323 : vector<1x16xf32> to vector<16xf32>
        %swap3A_325 = vector.shape_cast %get3A_316 : vector<16xf32> to vector<1x16xf32>
        tpu.vector_store %swap3A_320[%swap3A_321, %swap3A_322], %swap3A_325 {strides = array<i32>} : memref<128x64xf32, #tpu.memory_space<vmem>>, vector<1x16xf32>,
      }
      %scan3A_251 = arith.constant 128 : i32
      %add3A_252 = arith.constant 4 : i32
      %add3A_253 = arith.addi %add3A_222, %add3A_252 : i32
      %lt3A_254 = arith.constant 200 : i32
      %lt3A_255 = arith.cmpi slt, %add3A_253, %lt3A_254 : i32
      %convert_element_type3A_256 = arith.extui %lt3A_255 : i1 to i32
      %cond3A_257 = arith.constant 0 : i32
      %cond3A_258 = arith.cmpi ne, %convert_element_type3A_256, %cond3A_257 : i32
      scf.if %cond3A_258 {
        %add3A_259 = arith.constant 4 : i32
        %add3A_260 = arith.addi %add3A_222, %add3A_259 : i32
        %min3A = arith.constant 199 : i32
        %min3A_261 = arith.minsi %add3A_260, %min3A : i32
        %dma_start3A_262 = arith.constant 3 : i32
        %dma_start3A_263 = arith.constant 0 : i32
        %dma_start3A_264 = arith.constant 0 : i32
        %dma_start3A_265 = tpu.memref_slice %arg6[%dma_start3A_262, %dma_start3A_263, %dma_start3A_264] : memref<4x128x128xf32, #tpu.memory_space<vmem>> -> memref<1x128x128xf32, #tpu.memory_space<vmem>>
        %dma_start3A_266 = tpu.memref_squeeze %dma_start3A_265 : memref<1x128x128xf32, #tpu.memory_space<vmem>> -> memref<128x128xf32, #tpu.memory_space<vmem>>
        %dma_start3A_267 = arith.constant 0 : i32
        %dma_start3A_268 = tpu.memref_slice %arg5[%min3A_261, %dma_start3A_267] : memref<200x128xi32, #tpu.memory_space<vmem>> -> memref<1x128xi32, #tpu.memory_space<vmem>>
        %dma_start3A_269 = tpu.memref_squeeze %dma_start3A_268 : memref<1x128xi32, #tpu.memory_space<vmem>> -> memref<128xi32, #tpu.memory_space<vmem>>
        %dma_start3A_270 = arith.constant 0 : i32
        %dma_start3A_271 = arith.constant 0 : i32
        %dma_start3A_272 = tpu.memref_slice %arg3[%dma_start3A_270, %dma_start3A_271] : memref<1000000x128xf32, #tpu.memory_space<hbm>> -> memref<1000000x128xf32, #tpu.memory_space<hbm>>
        tpu.enqueue_indirect_dma source(%dma_start3A_272 : memref<1000000x128xf32, #tpu.memory_space<hbm>>) target(%dma_start3A_266 : memref<128x128xf32, #tpu.memory_space<vmem>>) offsets(%dma_start3A_269 : memref<128xi32, #tpu.memory_space<vmem>>) semaphore(%arg11 : memref<!tpu.dma_semaphore, #tpu.memory_space<semaphore_mem>>)
      } else {
      }
    }
    %scan3A_54 = arith.constant 50 : i32
    %dma_start3A_55 = arith.constant 1 : i32
    %dma_start3A_56 = arith.constant 199 : i32
    %dma_start3A_57 = arith.constant 0 : i32
    %dma_start3A_58 = arith.constant 0 : i32
    %dma_start3A_59 = tpu.memref_slice %arg7[%dma_start3A_55, %dma_start3A_57, %dma_start3A_58] : memref<2x128x64xf32, #tpu.memory_space<vmem>> -> memref<1x128x64xf32, #tpu.memory_space<vmem>>
    %dma_start3A_60 = tpu.memref_squeeze %dma_start3A_59 : memref<1x128x64xf32, #tpu.memory_space<vmem>> -> memref<128x64xf32, #tpu.memory_space<vmem>>
    %dma_start3A_61 = arith.constant 0 : i32
    %dma_start3A_62 = tpu.memref_slice %arg4[%mul3A_2, %dma_start3A_56, %dma_start3A_61] : memref<4096x200x64xf32, #tpu.memory_space<hbm>> -> memref<128x1x64xf32, #tpu.memory_space<hbm>>
    %dma_start3A_63 = tpu.memref_squeeze %dma_start3A_62 : memref<128x1x64xf32, #tpu.memory_space<hbm>> -> memref<128x64xf32, #tpu.memory_space<hbm>>
    %dma_start3A_64 = arith.constant 0 : i32
    %dma_start3A_65 = tpu.memref_slice %arg4[%mul3A_2, %dma_start3A_56, %dma_start3A_64] : memref<4096x200x64xf32, #tpu.memory_space<hbm>> -> memref<128x1x64xf32, #tpu.memory_space<hbm>>
    %dma_start3A_66 = tpu.memref_squeeze %dma_start3A_65 : memref<128x1x64xf32, #tpu.memory_space<hbm>> -> memref<128x64xf32, #tpu.memory_space<hbm>>
    %dma_start3A_67 = arith.constant 0 : i32
    %dma_start3A_68 = arith.constant 0 : i32
    %dma_start3A_69 = tpu.memref_slice %arg7[%dma_start3A_55, %dma_start3A_67, %dma_start3A_68] : memref<2x128x64xf32, #tpu.memory_space<vmem>> -> memref<1x128x64xf32, #tpu.memory_space<vmem>>
    %dma_start3A_70 = tpu.memref_squeeze %dma_start3A_69 : memref<1x128x64xf32, #tpu.memory_space<vmem>> -> memref<128x64xf32, #tpu.memory_space<vmem>>
    tpu.enqueue_dma source(%dma_start3A_70 : memref<128x64xf32, #tpu.memory_space<vmem>>) target(%dma_start3A_66 : memref<128x64xf32, #tpu.memory_space<hbm>>) target_semaphore(%arg13 : memref<!tpu.dma_semaphore, #tpu.memory_space<semaphore_mem>>)
    %dma_wait3A = arith.constant 0 : i32
    %dma_wait3A_71 = arith.constant 198 : i32
    %dma_wait3A_72 = arith.constant 0 : i32
    %dma_wait3A_73 = arith.constant 0 : i32
    %dma_wait3A_74 = tpu.memref_slice %arg7[%dma_wait3A, %dma_wait3A_72, %dma_wait3A_73] : memref<2x128x64xf32, #tpu.memory_space<vmem>> -> memref<1x128x64xf32, #tpu.memory_space<vmem>>
    %dma_wait3A_75 = tpu.memref_squeeze %dma_wait3A_74 : memref<1x128x64xf32, #tpu.memory_space<vmem>> -> memref<128x64xf32, #tpu.memory_space<vmem>>
    %dma_wait3A_76 = arith.constant 0 : i32
    %dma_wait3A_77 = tpu.memref_slice %arg4[%mul3A_2, %dma_wait3A_71, %dma_wait3A_76] : memref<4096x200x64xf32, #tpu.memory_space<hbm>> -> memref<128x1x64xf32, #tpu.memory_space<hbm>>
    %dma_wait3A_78 = tpu.memref_squeeze %dma_wait3A_77 : memref<128x1x64xf32, #tpu.memory_space<hbm>> -> memref<128x64xf32, #tpu.memory_space<hbm>>
    %dma_wait3A_79 = arith.constant 0 : i32
    %dma_wait3A_80 = tpu.memref_slice %arg4[%mul3A_2, %dma_wait3A_71, %dma_wait3A_79] : memref<4096x200x64xf32, #tpu.memory_space<hbm>> -> memref<128x1x64xf32, #tpu.memory_space<hbm>>
    %dma_wait3A_81 = tpu.memref_squeeze %dma_wait3A_80 : memref<128x1x64xf32, #tpu.memory_space<hbm>> -> memref<128x64xf32, #tpu.memory_space<hbm>>
    %dma_wait3A_82 = arith.constant 0 : i32
    %dma_wait3A_83 = arith.constant 0 : i32
    %dma_wait3A_84 = tpu.memref_slice %arg7[%dma_wait3A, %dma_wait3A_82, %dma_wait3A_83] : memref<2x128x64xf32, #tpu.memory_space<vmem>> -> memref<1x128x64xf32, #tpu.memory_space<vmem>>
    %dma_wait3A_85 = tpu.memref_squeeze %dma_wait3A_84 : memref<1x128x64xf32, #tpu.memory_space<vmem>> -> memref<128x64xf32, #tpu.memory_space<vmem>>
    tpu.wait_dma2 semaphore(%arg12 : memref<!tpu.dma_semaphore, #tpu.memory_space<semaphore_mem>>) src(%dma_wait3A_85 : memref<128x64xf32, #tpu.memory_space<vmem>>) dst(%dma_wait3A_81 : memref<128x64xf32, #tpu.memory_space<hbm>>)
    %dma_wait3A_86 = arith.constant 1 : i32
    %dma_wait3A_87 = arith.constant 199 : i32
    %dma_wait3A_88 = arith.constant 0 : i32
    %dma_wait3A_89 = arith.constant 0 : i32
    %dma_wait3A_90 = tpu.memref_slice %arg7[%dma_wait3A_86, %dma_wait3A_88, %dma_wait3A_89] : memref<2x128x64xf32, #tpu.memory_space<vmem>> -> memref<1x128x64xf32, #tpu.memory_space<vmem>>
    %dma_wait3A_91 = tpu.memref_squeeze %dma_wait3A_90 : memref<1x128x64xf32, #tpu.memory_space<vmem>> -> memref<128x64xf32, #tpu.memory_space<vmem>>
    %dma_wait3A_92 = arith.constant 0 : i32
    %dma_wait3A_93 = tpu.memref_slice %arg4[%mul3A_2, %dma_wait3A_87, %dma_wait3A_92] : memref<4096x200x64xf32, #tpu.memory_space<hbm>> -> memref<128x1x64xf32, #tpu.memory_space<hbm>>
    %dma_wait3A_94 = tpu.memref_squeeze %dma_wait3A_93 : memref<128x1x64xf32, #tpu.memory_space<hbm>> -> memref<128x64xf32, #tpu.memory_space<hbm>>
    %dma_wait3A_95 = arith.constant 0 : i32
    %dma_wait3A_96 = tpu.memref_slice %arg4[%mul3A_2, %dma_wait3A_87, %dma_wait3A_95] : memref<4096x200x64xf32, #tpu.memory_space<hbm>> -> memref<128x1x64xf32, #tpu.memory_space<hbm>>
    %dma_wait3A_97 = tpu.memref_squeeze %dma_wait3A_96 : memref<128x1x64xf32, #tpu.memory_space<hbm>> -> memref<128x64xf32, #tpu.memory_space<hbm>>
    %dma_wait3A_98 = arith.constant 0 : i32
    %dma_wait3A_99 = arith.constant 0 : i32
    %dma_wait3A_100 = tpu.memref_slice %arg7[%dma_wait3A_86, %dma_wait3A_98, %dma_wait3A_99] : memref<2x128x64xf32, #tpu.memory_space<vmem>> -> memref<1x128x64xf32, #tpu.memory_space<vmem>>
    %dma_wait3A_101 = tpu.memref_squeeze %dma_wait3A_100 : memref<1x128x64xf32, #tpu.memory_space<vmem>> -> memref<128x64xf32, #tpu.memory_space<vmem>>
    tpu.wait_dma2 semaphore(%arg13 : memref<!tpu.dma_semaphore, #tpu.memory_space<semaphore_mem>>) src(%dma_wait3A_101 : memref<128x64xf32, #tpu.memory_space<vmem>>) dst(%dma_wait3A_97 : memref<128x64xf32, #tpu.memory_space<hbm>>)
    return
  }
}

</mosaic_0001>

<sc_bundles>
// kernel: kernel.3.cloned.1.call-start
scs
__scs_entry_jumppad:
0x0: {  	(pc) =	sbr.rel $0x88, $3  }
0x1: {  	(tag) =	ssettag $0x0;
	lr =	simm.s32 $0x1  }
0x2: {  	[smem:$0x3F9F] =	sst lr;
	_ =	strace $0xD0000000  }
0x3: {  	_ = 	snop  }
0x4: {  	_ = 	snop  }
0x5: {  	_ = 	snop  }
0x6: {  	_ = 	snop  }
0x7: {  	_ = 	snop  }
__scs_overlays_trampoline_lowered:
0x8: {  	[smem:$0x3FAE] =	sst s0  }
0x9: {  	[smem:$0x3FAF] =	sst s1  }
0xa: {  	[smem:$0x3FB0] =	sst s2  }
0xb: {  	[smem:$0x3FB1] =	sst s3  }
0xc: {  	[smem:$0x3FB2] =	sst s4  }
0xd: {  	[smem:$0x3FB3] =	sst s5  }
0xe: {  	[smem:$0x3FB4] =	sst s6  }
0xf: {  	[smem:$0x3FB5] =	sst s7  }
0x10: {  	[smem:$0x3FB6] =	sst s8  }
0x11: {  	[smem:$0x3FB7] =	sst s9;
	s0 =	simm.s32 @!p0 $0x0  }
0x12: {  	s1 =	sld [smem:$0x3F9D];
	s0 =	simm.s32 @p0 $0x1  }
0x13: {  	[smem:$0x3FB8] =	sst s0;
	s0 =	simm.s32 @!p1 $0x0  }
0x14: {  	s2 =	sld [smem:$0x3F9C];
	s0 =	simm.s32 @p1 $0x1  }
0x15: {  	[smem:$0x3FB9] =	sst s0;
	s0 =	simm.s32 @!p2 $0x0  }
0x16: {  	s3 =	sld [smem:$0x3FDB];
	s0 =	simm.s32 @p2 $0x1  }
0x17: {  	s4 =	simm.s32 $0x1BF5;
	[smem:$0x3FBB] =	sst s0  }
0x18: {  	s0 =	sld [smem:$0x3F9E];
	_ =	swait.ge [sflag:s4], $0x0  }
0x19: {  	s7 =	sld [smem:$0x3F9F]  }
0x1a: {  	s8 =	sadd.s32 $0xFFFFE003, lr  }
0x1b: {  	s9 =	sadd.s32 $0xFFFFFEF7, lr;
	s5 =	simm.s32 $0xFFFFFFFF;
	p2 =	slt.u32 s8, $0xFFFFF086  }
0x1c: {  	p1 =	slt.u32 s9, $0xF7A;
	s5 =	simm.s32 @!p2 $0x0  }
0x1d: {  	s5 =	simm.s32 @p1 $0x1;
	p0 =	seq.s32 s7, s2  }
0x1e: {  	s7 =	smul.u32 @!p0 $0xF7A, s2;
	p2 =	seq.s32 @!p0 s5, $0x0  }
0x1f: {  	s9 =	smul.u32 $0xF7A, s1;
	s8 =	simm.s32 @!p0 $0x1BF5;
	p2 =	por !p2, p0  }
0x20: {  	[sflag:s8] =	ssyncset.s32 @!p0 $0xFFFFF086;
	s6 =	sadd.s32 @!p0 s3, s7;
	s7 =	simm.s32 @!p0 $0x108  }
0x21: {  	s3 =	sadd.s32 s3, s9;
	s6 =	sadd.s32 @!p0 $0x88, s6;
	s7 =	simm.s32 @p2 $0x1082  }
0x22: {  	[simem:s7], [sflag:s8] =	dma.local @!p0 [hbm:s6], $0xF7A  }
0x23: {  	s9 =	sor.u32 $0xD0000000, s2;
	s6 =	simm.s32 $0x108;
	_ =	swait.ge @!p0 [sflag:s8], $0x0  }
0x24: {  	s3 =	sadd.s32 $0x88, s3;
	s6 =	simm.s32 @!p1 $0x1082;
	[sflag:s4] =	ssyncset.s32 $0xFFFFF086  }
0x25: {  	[simem:s6], [sflag:s4] =	dma.local [hbm:s3], $0xF7A  }
0x26: {  	[smem:$0x3F9F] =	sst s1;
	(tag) =	ssettag s2;
	_ =	strace s9  }
0x27: {  	s1 =	sld [smem:$0x3FAF]  }
0x28: {  	s2 =	sld [smem:$0x3FB0]  }
0x29: {  	s4 =	sld [smem:$0x3FB2]  }
0x2a: {  	p0 =	seq.s32 s5, $0x0;
	s5 =	sld [smem:$0x3FB3]  }
0x2b: {  	s6 =	sld [smem:$0x3FB4]  }
0x2c: {  	s7 =	sld [smem:$0x3FB5]  }
0x2d: {  	s3 =	simm.s32 $0x108;
	s8 =	sld [smem:$0x3FB6]  }
0x2e: {  	s3 =	simm.s32 @!p0 $0x1082;
	s9 =	sld [smem:$0x3FB7]  }
0x2f: {  	lr =	sadd.s32 s0, s3;
	s0 =	sld [smem:$0x3FAE]  }
0x30: {  	s3 =	sld [smem:$0x3FB1]  }
0x31: {  	[smem:$0x3FBA] =	sst s10  }
0x32: {  	s10 =	sld [smem:$0x3FB8];
	_ =	sdelay $0x3  }
0x33: {  	p0 =	seq.s32 s10, $0x1;
	s10 =	sld [smem:$0x3FBA];
	_ =	sdelay $0x3  }
0x34: {  	[smem:$0x3FBA] =	sst s10  }
0x35: {  	s10 =	sld [smem:$0x3FB9];
	_ =	sdelay $0x3  }
0x36: {  	p1 =	seq.s32 s10, $0x1;
	s10 =	sld [smem:$0x3FBA];
	_ =	sdelay $0x3  }
0x37: {  	[smem:$0x3FBA] =	sst s10  }
0x38: {  	s10 =	sld [smem:$0x3FBB]  }
0x39: {  	_ = 	snop;
	(pc) =	sbr.ind lr, $3  }
0x3a: {  	_ = 	snop  }
0x3b: {  	_ = 	snop  }
0x3c: {  	p2 =	seq.s32 s10, $0x1;
	s10 =	sld [smem:$0x3FBA]  }
0x3d: {  	_ =	shalt  }
0x3e: {  	_ =	shalt  }
0x3f: {  	_ =	shalt  }
0x40: {  	_ =	shalt  }
0x41: {  	_ =	shalt  }
0x42: {  	_ =	shalt  }
0x43: {  	_ =	shalt  }
0x44: {  	_ =	shalt  }
0x45: {  	_ =	shalt  }
0x46: {  	_ =	shalt  }
0x47: {  	_ =	shalt  }
0x48: {  	_ =	shalt  }
0x49: {  	_ =	shalt  }
0x4a: {  	_ =	shalt  }
0x4b: {  	_ =	shalt  }
0x4c: {  	_ =	shalt  }
0x4d: {  	_ =	shalt  }
0x4e: {  	_ =	shalt  }
0x4f: {  	_ =	shalt  }
0x50: {  	_ =	shalt  }
0x51: {  	_ =	shalt  }
0x52: {  	_ =	shalt  }
0x53: {  	_ =	shalt  }
0x54: {  	_ =	shalt  }
0x55: {  	_ =	shalt  }
0x56: {  	_ =	shalt  }
0x57: {  	_ =	shalt  }
0x58: {  	_ =	shalt  }
0x59: {  	_ =	shalt  }
0x5a: {  	_ =	shalt  }
0x5b: {  	_ =	shalt  }
0x5c: {  	_ =	shalt  }
0x5d: {  	_ =	shalt  }
0x5e: {  	_ =	shalt  }
0x5f: {  	_ =	shalt  }
0x60: {  	_ =	shalt  }
0x61: {  	_ =	shalt  }
0x62: {  	_ =	shalt  }
0x63: {  	_ =	shalt  }
0x64: {  	_ =	shalt  }
0x65: {  	_ =	shalt  }
0x66: {  	_ =	shalt  }
0x67: {  	_ =	shalt  }
0x68: {  	_ =	shalt  }
0x69: {  	_ =	shalt  }
0x6a: {  	_ =	shalt  }
0x6b: {  	_ =	shalt  }
0x6c: {  	_ =	shalt  }
0x6d: {  	_ =	shalt  }
0x6e: {  	_ =	shalt  }
0x6f: {  	_ =	shalt  }
0x70: {  	_ =	shalt  }
0x71: {  	_ =	shalt  }
0x72: {  	_ =	shalt  }
0x73: {  	_ =	shalt  }
0x74: {  	_ =	shalt  }
0x75: {  	_ =	shalt  }
0x76: {  	_ =	shalt  }
0x77: {  	_ =	shalt  }
0x78: {  	_ =	shalt  }
0x79: {  	_ =	shalt  }
0x7a: {  	_ =	shalt  }
0x7b: {  	_ =	shalt  }
0x7c: {  	_ =	shalt  }
0x7d: {  	_ =	shalt  }
0x7e: {  	_ =	shalt  }
0x7f: {  	_ =	shalt  }
0x80: {  	_ =	shalt  }
0x81: {  	_ =	shalt  }
0x82: {  	_ =	shalt  }
0x83: {  	_ =	shalt  }
0x84: {  	_ =	shalt  }
0x85: {  	_ =	shalt  }
0x86: {  	_ =	shalt  }
0x87: {  	_ =	shalt  }
.Lfunc_end0:
.L_simem_size_0:
called_computation_lowered:
.L_overlay_start_0:
0x88: {  	s2 =	sld [smem:$0x3FD9]  }
0x89: {  	s3 =	sld [smem:$0x3FFE];
	_ =	sdelay $0x1  }
0x8a: {  	s1 =	srdreg.scid  }
0x8b: {  	s0 =	sand.u32 $0x1, s1  }
0x8c: {  	s17 =	sshll.u32 s0, $0xA;
	s2 =	sadd.s32 s3, s2  }
0x8d: {  	s2 =	sadd.s32 s2, s17  }
0x8e: {  	[smem:$0x3FC6] =	sst s2  }
0x8f: {  	_ = 	snop  }
0x90: {  	s2 =	sld [smem:$0x3FD0];
	(tm) =	ssettm $0x1  }
0x91: {  	s18 =	sld [smem:$0x3FFB];
	_ =	sdelay $0x3  }
0x92: {  	_ =	strace s18  }
0x93: {  	s3 =	sld [smem:$0x3FFC];
	_ =	sdelay $0x3  }
0x94: {  	_ =	strace s3  }
0x95: {  	s3 =	sld [smem:$0x3FFD];
	_ =	sdelay $0x3  }
0x96: {  	_ =	strace s3  }
0x97: {  	_ =	strace $0x8FFFFFFF  }
0x98: {  	s19 =	sld [smem:$0x3FDB];
	_ =	sdelay $0x1  }
0x99: {  	s4 =	simm.s32 $_scs_section_size  }
0x9a: {  	s5 =	simm.s32 $_size__tile_overlayer_lowered;
	s6 =	simm.s32 $_tile_overlayer_lowered  }
0x9b: {  	s22 =	simm.s32 $0x1BFF;
	s21 =	sshll.u32 s6, $0x1;
	s3 =	sadd.s32 s4, s19  }
0x9c: {  	s7 =	simm.s32 $0x0;
	s20 =	sshll.u32 s5, $0x1;
	s5 =	sadd.s32 s21, s3  }
0x9d: {  	[timem:s7], [sflag:s22] =	dma.local [hbm:s5], s20  }
0x9e: {  	_ =	swait.ge [sflag:s22], s20  }
0x9f: {  	s4 =	ssub.s32 $0x0, s20;
	[sflag:s22] =	ssyncset.done $0x0  }
0xa0: {  	[sflag:s22] =	ssyncadd.s32 s4;
	_ =	sdelay $0x1  }
0xa1: {  	s23 =	simm.s32 $0x1B8B  }
0xa2: {  	_ =	swait.ge [sflag:s23], $0x1  }
0xa3: {  	[sflag:s23] =	ssyncset.done $0x0  }
0xa4: {  	s25 =	simm.s32 $0x1B8E;
	s24 =	sld [smem:$0x3FFE];
	[sflag:s23] =	ssyncadd.s32 $0xFFFFFFFF  }
0xa5: {  	s26 =	simm.s32 $execute0_lowered;
	[smem:$0x3FD2] =	sst s25  }
0xa6: {  	s5 =	sshll.u32 s26, $0x1;
	_ =	strace $0x80000046;
	[dreg:$0x1] =	wrdreg $0xFFFFFFFF  }
0xa7: {  	s28 =	simm.s32 $_size_execute0_lowered;
	s3 =	sadd.s32 s3, s5;
	[dreg:$0x0] =	wrdreg $0x0  }
0xa8: {  	s5 =	sshll.u32 s28, $0x1;
	[dreg:$0x2] =	wrdreg s3  }
0xa9: {  	[dreg:$0x3] =	wrdreg s5  }
0xaa: {  	[dreg:$0x4] =	wrdreg $0xC0  }
0xab: {  	_ =	task [dreg:s7], $0x5FFFF  }
0xac: {  	[dreg:$0x1] =	wrdreg $0xFFFFFFFF  }
0xad: {  	[dreg:$0x0] =	wrdreg $0x60  }
0xae: {  	[dreg:$0x2] =	wrdreg s2  }
0xaf: {  	[dreg:$0x3] =	wrdreg s24  }
0xb0: {  	[dreg:$0x4] =	wrdreg $0x9  }
0xb1: {  	_ =	task.clear_ibuf [dreg:s7], $0x5FFFF;
	_ =	strace $0x90000046  }
0xb2: {  	s29 =	simm.s32 $0x9;
	_ =	strace $0x80000048  }
0xb3: {  	_ =	swait.ge [sflag:s29], $0x1  }
0xb4: {  	[sflag:s29] =	ssyncadd.s32 $0xFFFFFFFF  }
0xb5: {  	_ =	strace $0x90000048  }
0xb6: {  	_ =	sfence  }
0xb7: {  	s30 =	sld [smem:$0x0];
	_ =	sdelay $0x2  }
0xb8: {  	s31 =	sshll.u32 s1, $0xD;
	s1 =	sshrl.u32 s1, $0x2  }
0xb9: {  	s3 =	sand.u32 $0x4000, s31;
	s1 =	sadd.s32 s1, s30  }
0xba: {  	s0 =	sor.u32 s3, s0;
	s1 =	sshll.u32 s1, $0x11  }
0xbb: {  	s0 =	sor.u32 s1, s0  }
0xbc: {  	s0 =	sadd.s32 $0x8F2B, s0  }
0xbd: {  	[sflag:s0] =	ssyncadd.remote.s32 $0x1  }
0xbe: {  	_ =	sfence.sel $0xFFFF  }
0xbf: {  	[dreg:$0x0] =	wrdreg $0xFFFFFFFF;
	(pc) =	sbr.abs _section_cstart, $3  }
0xc0: {  	[dreg:$0x1] =	wrdreg $0xFFFFFFFF  }
0xc1: {  	_ =	task.clear_ibuf [dreg:s7], $0x2FFFF;
	_ =	strace $0x9FFFFFFF  }
0xc2: {  	(tm) =	ssettm $0x7FFFFFFF  }
0xc3: {  	_ =	shalt  }
tec
execute0_lowered:
.L_overlay_start_1:
0x0: {  	(tag) =	ssettag $0x1  }
0x1: {  	s0 =	rddreg [dreg:$0x0]  }
0x2: {  	s4 =	rddreg [dreg:$0x1]  }
0x3: {  	s3 =	srdreg.scid;
	s1 =	stileid.u32  }
0x4: {  	s2 =	simm.s32 $0x0;
	s10 =	simm.s32 $0x80;
	s11 =	simm.s32 $0x6400  }
0x5: {  	s12 =	simm.s32 $0xA400;
	s13 =	simm.s32 $0x100;
	s14 =	simm.s32 $0xE400  }
0x6: {  	s15 =	simm.s32 $0x180;
	s16 =	simm.s32 $0x12400;
	s17 =	simm.s32 $0x1  }
0x7: {  	s18 =	simm.s32 $0x2;
	s19 =	simm.s32 $0x16400;
	s20 =	simm.s32 $0x3  }
0x8: {  	s21 =	simm.s32 $0x1A400;
	s3 =	sand.u32 $0x1, s3;
	s5 =	sshll.u32 s1, $0x1  }
0x9: {  	s22 =	simm.s32 $0x5;
	s23 =	simm.s32 $0x4;
	s6 =	sor.u32 s3, s5  }
0xa: {  	s24 =	simm.s32 $0x6;
	[smem:$0x7FF] =	sst s2;
	s7 =	smul.u32 $0x64000, s6  }
.Ltmp0:
0xb: {  	s25 =	simm.s32 $0x0;
	_ =	strace $0x80000047;
	(pc) =	sbr.rel .LBB2_1-.Ltmp0, $4  }
0xc: {  	s31 =	ssub.s32 $0x2, s3;
	s3 =	sadd.s32 $0x600, s4;
	s9 =	smul.u32 $0xC80, s6  }
0xd: {  	s4 =	sadd.s32 $0xF42A00, s4;
	s8 =	sshrl.u32 s31, $0x1;
	s6 =	smul.u32 $0x320000, s6  }
0xe: {  	s8 =	ssub.s32 s31, s8;
	s7 =	sadd.s32 s7, s3;
	s5 =	sadd.s32 s0, s9  }
0xf: {  	s8 =	smax.u32 s8, $0x1;
	s9 =	simm.s32 $0x7;
	s7 =	sadd.s32 $0xC70, s7  }
.LBB2_12:
0x10: {  	[hbm4b:s7+s10] =	stream.strided.scatter [tilespmem:s21], [sflag:$0x6], $0x4000, s11, s10, $0x38;
	[tilespmem:$0x1E400] =	vst v63  }
0x11: {  	s25 =	sadd.s32 $0x1, s25  }
0x12: {  	_ =	swait.ge [sflag:s22], $0x4000;
	p0 =	sne.s32 s25, s8  }
.Ltmp1:
0x13: {  	[sflag:s22] =	ssyncset.done $0x0;
	(pc) =	sbr.rel @!p0 .LBB2_13-.Ltmp1, $4  }
0x14: {  	[sflag:s22] =	ssyncadd.s32 $0xFFFFC000  }
0x15: {  	_ =	swait.ge [sflag:s24], $0x4000  }
0x16: {  	[sflag:s24] =	ssyncset.done $0x0  }
0x17: {  	[sflag:s24] =	ssyncadd.s32 $0xFFFFC000  }
.LBB2_1:
0x18: {  	[tilespmem:s2], [sflag:$0x7] =	stream.linear.gather [hbm4b:s5+s2], $0x6400, $0x38;
	[tilespmem:$0x1E400] =	vst v63  }
0x19: {  	_ =	swait.ge [sflag:s9], $0x6400  }
0x1a: {  	[sflag:s9] =	ssyncset.done $0x0  }
0x1b: {  	[sflag:s9] =	ssyncadd.s32 $0xFFFF9C00  }
0x1c: {  	[tilespmem:s11], [sflag:$0x1] =	stream.indirect.gather [hbm4b:s4+s10], $0x80, s2, s10, $0xb8;
	[tilespmem:$0x1E400] =	vst v63  }
0x1d: {  	_ = 	snop  }
0x1e: {  	[tilespmem:s12], [sflag:$0x2] =	stream.indirect.gather [hbm4b:s4+s10], $0x80, s10, s10, $0xb8;
	[tilespmem:$0x1E400] =	vst v63  }
0x1f: {  	_ = 	snop  }
0x20: {  	[tilespmem:s14], [sflag:$0x3] =	stream.indirect.gather [hbm4b:s4+s10], $0x80, s13, s10, $0xb8;
	[tilespmem:$0x1E400] =	vst v63  }
0x21: {  	s26 =	simm.s32 $0x0  }
0x22: {  	[tilespmem:s16], [sflag:$0x4] =	stream.indirect.gather [hbm4b:s4+s10], $0x80, s15, s10, $0xb8;
	[tilespmem:$0x1E400] =	vst v63  }
.LBB2_2:
0x23: {  	p1 =	seq.s32 s26, $0x0  }
0x24: {  	s0 =	sshll.u32 @!p1 s26, $0x9  }
0x25: {  	s0 =	sadd.s32 @!p1 $0xFFFFFF80, s0  }
0x26: {  	s28 =	sand.u32 @!p1 $0xFFFFFC00, s0  }
0x27: {  	_ =	swait.ge [sflag:s17], $0x4000;
	s0 =	sand.u32 @!p1 $0x380, s0;
	s28 =	sadd.s32 @!p1 s6, s28  }
0x28: {  	[sflag:s17] =	ssyncset.done $0x0;
	s0 =	sor.u32 @!p1 s0, s28  }
0x29: {  	s29 =	simm.s32 @!p1 $0x6400;
	s30 =	simm.s32 @!p1 $0x1A400;
	s0 =	sshrl.u32 @!p1 s0, $0x3  }
0x2a: {  	[sflag:s17] =	ssyncadd.s32 $0xFFFFC000;
	s28 =	simm.s32 @!p1 $0x80;
	s0 =	sadd.s32 @!p1 s3, s0  }
0x2b: {  	[hbm4b:s0+s28] =	stream.strided.scatter @!p1 [tilespmem:s30], [sflag:$0x6], $0x4000, s29, s28, $0x38;
	[tilespmem:$0x1E400] =	vst v63  }
0x2c: {  	s0 =	simm.s32 @!p1 $0x5  }
0x2d: {  	_ =	swait.ge @!p1 [sflag:s0], $0x4000  }
0x2e: {  	[sflag:s0] =	ssyncset.done @!p1 $0x0  }
0x2f: {  	s28 =	simm.s32 $0x0;
	[sflag:s0] =	ssyncadd.s32 @!p1 $0xFFFFC000  }
0x30: {  	v3 =	vld [tilespmem:s28+$0x6430]  }
0x31: {  	v1 =	vld [tilespmem:s28+$0x6400]  }
0x32: {  	v0 =	vld [tilespmem:s28+$0x6410]  }
0x33: {  	s29 =	simm.s32 $0x200;
	v2 =	vld [tilespmem:s28+$0x6420]  }
.LBB2_3:
0x34: {  	p0 =	sne.s32 s29, $0xFE00  }
.Ltmp2:
0x35: {  	s0 =	sshra.s32 s29, $0x2;
	s29 =	sadd.s32 $0x200, s29;
	[tilespmem:s28+$0x16430] =	vst v3;
	(pc) =	sbr.rel @p0 .LBB2_3-.Ltmp2, $4  }
0x36: {  	v3 =	vld [tilespmem:s0+$0x6430];
	[tilespmem:s28+$0x16400] =	vst v1  }
0x37: {  	v1 =	vld [tilespmem:s0+$0x6400];
	[tilespmem:s28+$0x16410] =	vst v0  }
0x38: {  	v0 =	vld [tilespmem:s0+$0x6410];
	[tilespmem:s28+$0x16420] =	vst v2;
	s28 =	smov.u32 s0  }
0x39: {  	v2 =	vld [tilespmem:s28+$0x6420]  }
0x3a: {  	_ = 	snop  }
0x3b: {  	p0 =	seq.s32 s26, $0x31;
	[tilespmem:s28+$0x16430] =	vst v3  }
0x3c: {  	s0 =	sshll.u32 @!p0 s26, $0x9;
	[tilespmem:s28+$0x16400] =	vst v1  }
0x3d: {  	s29 =	sand.u32 @!p0 $0x3FFFFE00, s0;
	[tilespmem:s28+$0x16410] =	vst v0  }
0x3e: {  	s30 =	simm.s32 @!p0 $0x6400;
	s0 =	sadd.s32 @!p0 $0x200, s29;
	[tilespmem:s28+$0x16420] =	vst v2;
	s28 =	simm.s32 @!p0 $0x80  }
0x3f: {  	[tilespmem:s30], [sflag:$0x1] =	stream.indirect.gather @!p0 [hbm4b:s4+s28], $0x80, s0, s28, $0xb8;
	[tilespmem:$0x1E400] =	vst v63  }
0x40: {  	s28 =	sshll.u32 s26, $0x9  }
0x41: {  	s1 =	sand.u32 $0x7E00, s28  }
0x42: {  	_ =	swait.ge [sflag:s18], $0x4000;
	s0 =	sor.u32 s6, s1  }
0x43: {  	[sflag:s18] =	ssyncset.done $0x0;
	s30 =	sshrl.u32 s0, $0x3  }
0x44: {  	[sflag:s18] =	ssyncadd.s32 $0xFFFFC000;
	s0 =	sadd.s32 s3, s30  }
0x45: {  	[hbm4b:s0+s10] =	stream.strided.scatter [tilespmem:s19], [sflag:$0x5], $0x4000, s11, s10, $0x38;
	[tilespmem:$0x1E400] =	vst v63  }
0x46: {  	s0 =	simm.s32 @!p1 $0x6  }
0x47: {  	_ =	swait.ge @!p1 [sflag:s0], $0x4000  }
0x48: {  	[sflag:s0] =	ssyncset.done @!p1 $0x0  }
0x49: {  	s31 =	simm.s32 $0x0;
	[sflag:s0] =	ssyncadd.s32 @!p1 $0xFFFFC000  }
0x4a: {  	v0 =	vld [tilespmem:s31+$0xA430]  }
0x4b: {  	v1 =	vld [tilespmem:s31+$0xA400]  }
0x4c: {  	v2 =	vld [tilespmem:s31+$0xA410]  }
0x4d: {  	s0 =	simm.s32 $0x200;
	v3 =	vld [tilespmem:s31+$0xA420]  }
.LBB2_5:
0x4e: {  	p1 =	sne.s32 s0, $0xFE00  }
.Ltmp3:
0x4f: {  	s1 =	sshra.s32 s0, $0x2;
	s0 =	sadd.s32 $0x200, s0;
	[tilespmem:s31+$0x1A430] =	vst v0;
	(pc) =	sbr.rel @p1 .LBB2_5-.Ltmp3, $4  }
0x50: {  	v0 =	vld [tilespmem:s1+$0xA430];
	[tilespmem:s31+$0x1A400] =	vst v1  }
0x51: {  	v1 =	vld [tilespmem:s1+$0xA400];
	[tilespmem:s31+$0x1A410] =	vst v2  }
0x52: {  	v2 =	vld [tilespmem:s1+$0xA410];
	[tilespmem:s31+$0x1A420] =	vst v3;
	s31 =	smov.u32 s1  }
0x53: {  	v3 =	vld [tilespmem:s31+$0xA420]  }
0x54: {  	_ = 	snop  }
0x55: {  	[tilespmem:s31+$0x1A430] =	vst v0  }
0x56: {  	[tilespmem:s31+$0x1A400] =	vst v1  }
0x57: {  	[tilespmem:s31+$0x1A410] =	vst v2  }
0x58: {  	s0 =	sadd.s32 @!p0 $0x280, s29;
	s1 =	simm.s32 @!p0 $0x80;
	[tilespmem:s31+$0x1A420] =	vst v3;
	s31 =	simm.s32 @!p0 $0xA400  }
0x59: {  	[tilespmem:s31], [sflag:$0x2] =	stream.indirect.gather @!p0 [hbm4b:s4+s1], $0x80, s0, s1, $0xb8;
	[tilespmem:$0x1E400] =	vst v63  }
0x5a: {  	_ =	swait.ge [sflag:s20], $0x4000  }
0x5b: {  	s30 =	sadd.s32 s30, s3;
	[sflag:s20] =	ssyncset.done $0x0  }
0x5c: {  	s1 =	sadd.s32 $0x10, s30;
	[sflag:s20] =	ssyncadd.s32 $0xFFFFC000  }
0x5d: {  	[hbm4b:s1+s10] =	stream.strided.scatter [tilespmem:s21], [sflag:$0x6], $0x4000, s11, s10, $0x38;
	[tilespmem:$0x1E400] =	vst v63  }
0x5e: {  	_ =	swait.ge [sflag:s22], $0x4000  }
0x5f: {  	[sflag:s22] =	ssyncset.done $0x0  }
0x60: {  	s31 =	simm.s32 $0x0;
	[sflag:s22] =	ssyncadd.s32 $0xFFFFC000  }
0x61: {  	v0 =	vld [tilespmem:s31+$0xE430]  }
0x62: {  	v1 =	vld [tilespmem:s31+$0xE400]  }
0x63: {  	v2 =	vld [tilespmem:s31+$0xE410]  }
0x64: {  	s0 =	simm.s32 $0x200;
	v3 =	vld [tilespmem:s31+$0xE420]  }
.LBB2_7:
0x65: {  	p1 =	sne.s32 s0, $0xFE00  }
.Ltmp4:
0x66: {  	s1 =	sshra.s32 s0, $0x2;
	s0 =	sadd.s32 $0x200, s0;
	[tilespmem:s31+$0x16430] =	vst v0;
	(pc) =	sbr.rel @p1 .LBB2_7-.Ltmp4, $4  }
0x67: {  	v0 =	vld [tilespmem:s1+$0xE430];
	[tilespmem:s31+$0x16400] =	vst v1  }
0x68: {  	v1 =	vld [tilespmem:s1+$0xE400];
	[tilespmem:s31+$0x16410] =	vst v2  }
0x69: {  	v2 =	vld [tilespmem:s1+$0xE410];
	[tilespmem:s31+$0x16420] =	vst v3;
	s31 =	smov.u32 s1  }
0x6a: {  	v3 =	vld [tilespmem:s31+$0xE420]  }
0x6b: {  	_ = 	snop  }
0x6c: {  	[tilespmem:s31+$0x16430] =	vst v0  }
0x6d: {  	[tilespmem:s31+$0x16400] =	vst v1  }
0x6e: {  	[tilespmem:s31+$0x16410] =	vst v2  }
0x6f: {  	s0 =	sadd.s32 @!p0 $0x300, s29;
	s1 =	simm.s32 @!p0 $0x80;
	s29 =	simm.s32 @!p0 $0xE400;
	[tilespmem:s31+$0x16420] =	vst v3  }
0x70: {  	[tilespmem:s29], [sflag:$0x3] =	stream.indirect.gather @!p0 [hbm4b:s4+s1], $0x80, s0, s1, $0xb8;
	[tilespmem:$0x1E400] =	vst v63  }
0x71: {  	_ =	swait.ge [sflag:s23], $0x4000  }
0x72: {  	[sflag:s23] =	ssyncset.done $0x0  }
0x73: {  	s31 =	sadd.s32 $0x20, s30;
	[sflag:s23] =	ssyncadd.s32 $0xFFFFC000  }
0x74: {  	[hbm4b:s31+s10] =	stream.strided.scatter [tilespmem:s19], [sflag:$0x5], $0x4000, s11, s10, $0x38;
	[tilespmem:$0x1E400] =	vst v63  }
0x75: {  	_ =	swait.ge [sflag:s24], $0x4000  }
0x76: {  	[sflag:s24] =	ssyncset.done $0x0  }
0x77: {  	s29 =	simm.s32 $0x0;
	[sflag:s24] =	ssyncadd.s32 $0xFFFFC000  }
0x78: {  	v0 =	vld [tilespmem:s29+$0x12430]  }
0x79: {  	v1 =	vld [tilespmem:s29+$0x12400]  }
0x7a: {  	v2 =	vld [tilespmem:s29+$0x12410]  }
0x7b: {  	s0 =	simm.s32 $0x200;
	v3 =	vld [tilespmem:s29+$0x12420]  }
.LBB2_9:
0x7c: {  	p1 =	sne.s32 s0, $0xFE00  }
.Ltmp5:
0x7d: {  	s1 =	sshra.s32 s0, $0x2;
	s0 =	sadd.s32 $0x200, s0;
	[tilespmem:s29+$0x1A430] =	vst v0;
	(pc) =	sbr.rel @p1 .LBB2_9-.Ltmp5, $4  }
0x7e: {  	v0 =	vld [tilespmem:s1+$0x12430];
	[tilespmem:s29+$0x1A400] =	vst v1  }
0x7f: {  	v1 =	vld [tilespmem:s1+$0x12400];
	[tilespmem:s29+$0x1A410] =	vst v2  }
0x80: {  	v2 =	vld [tilespmem:s1+$0x12410];
	[tilespmem:s29+$0x1A420] =	vst v3;
	s29 =	smov.u32 s1  }
0x81: {  	v3 =	vld [tilespmem:s29+$0x12420]  }
.Ltmp6:
0x82: {  	_ = 	snop;
	(pc) =	sbr.rel @p0 .LBB2_12-.Ltmp6, $4  }
0x83: {  	[tilespmem:s29+$0x1A430] =	vst v0  }
0x84: {  	[tilespmem:s29+$0x1A400] =	vst v1  }
0x85: {  	[tilespmem:s29+$0x1A410] =	vst v2  }
0x86: {  	[tilespmem:s29+$0x1A420] =	vst v3  }
.Ltmp7:
0x87: {  	(pc) =	sbr.rel .LBB2_2-.Ltmp7, $4  }
0x88: {  	_ = 	snop  }
0x89: {  	s0 =	sand.u32 $0x3FFFFE00, s28  }
0x8a: {  	s26 =	sadd.s32 $0x1, s26;
	s0 =	sadd.s32 $0x380, s0  }
0x8b: {  	[tilespmem:s16], [sflag:$0x4] =	stream.indirect.gather [hbm4b:s4+s10], $0x80, s0, s10, $0xb8;
	[tilespmem:$0x1E400] =	vst v63  }
.LBB2_13:
0x8c: {  	_ =	sfence.sel $0x180000  }
0x8d: {  	[bflag:$0x0] =	sbarrier.arrive $0xFFFF  }
0x8e: {  	_ =	strace $0x90000047  }
0x8f: {  	s0 =	stileid.u32;
	[bflag:$0x2] =	sbarrier.arrive $0xFFFF  }
0x90: {  	p0 =	sne.s32 s0, $0x0;
	s0 =	rddreg [dreg:$0x2]  }
0x91: {  	s0 =	sadd.s32 @!p0 $0x100000, s0  }
0x92: {  	[sflag:s0] =	ssyncadd.tile.s32 @!p0 $0x1;
	_ =	shalt  }
.Lfunc_end2:
_tile_overlayer_lowered:
.L_overlay_start_2:
0x93: {  	(tag) =	ssettag $0x2  }
0x94: {  	s0 =	rddreg [dreg:$0x0];
	s2 =	stileid.u32  }
0x95: {  	s1 =	rddreg [dreg:$0x1];
	p0 =	sne.s32 s2, $0x0  }
0x96: {  	s3 =	rddreg [dreg:$0x2];
	[bflag:$0x3] =	sbarrier.arrive $0xFFFF;
	s2 =	simm.s32 @!p0 $0x1C07  }
0x97: {  	[timem:s3], [sflag:s2] =	dma.local @!p0 [hbm:s0], s1  }
0x98: {  	s0 =	simm.s32 @!p0 $0x7  }
0x99: {  	_ =	swait.ge @!p0 [sflag:s0], s1  }
0x9a: {  	s1 =	ssub.s32 @!p0 $0x0, s1;
	[sflag:s0] =	ssyncset.done @!p0 $0x0  }
0x9b: {  	[sflag:s0] =	ssyncadd.s32 @!p0 s1  }
0x9c: {  	[bflag:$0x3] =	sbarrier.arrive $0xFFFF  }
0x9d: {  	_ =	shalt  }

</sc_bundles>
